<compile_context>
chip_gen: v7x
topology: tpu7x:2x2x1
jax: 0.10.2.dev20260603
libtpu: 0.0.44.dev20260713+nightly
codegen_flags: <defaults>
</compile_context>

<pallas_src>
import functools

import jax
import jax.numpy as jnp
from jax import lax
from jax.experimental import pallas as pl
from jax.experimental.pallas import tpu as pltpu
from jax.experimental.pallas import tpu_sc as plsc

N_FIELDS = 26
VOCAB = 100000
EMBED_DIM = 32
BATCH = 16384

_LANES = 16
_GROUP = 128


def _build_sc_kernel():
    info = plsc.get_sparse_core_info()
    nc, ns = info.num_cores, info.num_subcores
    nw = nc * ns
    rows_total = BATCH * N_FIELDS
    assert rows_total % nw == 0
    rows_per_w = rows_total // nw
    assert rows_per_w % _GROUP == 0
    groups_per_w = rows_per_w // _GROUP
    g_per_s = 8
    assert groups_per_w % g_per_s == 0
    n_super = groups_per_w // g_per_s
    rows_per_s = g_per_s * _GROUP
    assert rows_per_w % N_FIELDS == 0

    mesh = plsc.VectorSubcoreMesh(core_axis_name="c", subcore_axis_name="s")

    @functools.partial(
        pl.kernel,
        out_type=jax.ShapeDtypeStruct((rows_total, EMBED_DIM), jnp.float32),
        mesh=mesh,
        scratch_types=[
            pltpu.VMEM((groups_per_w, _GROUP), jnp.int32),
            pltpu.VMEM((g_per_s, _GROUP), jnp.int32),
            pltpu.VMEM((rows_per_s, EMBED_DIM), jnp.float32),
            pltpu.SemaphoreType.DMA,
        ],
        compiler_params=pltpu.CompilerParams(use_tc_tiling_on_sc=False),
    )
    def sc_kernel(tab_hbm, x_hbm, out_hbm, xv, gidx, rows, sem):
        wid = lax.axis_index("c") * ns + lax.axis_index("s")
        pltpu.sync_copy(x_hbm.at[wid], xv)
        iota = lax.iota(jnp.int32, 16)
        row_base = wid * rows_per_w

        def super_body(s, carry):
            for r in range(g_per_s):
                g = s * g_per_s + r
                for ch in range(_GROUP // _LANES):
                    j = (g * _GROUP + ch * _LANES) + iota
                    fld = lax.rem(j, N_FIELDS)
                    raw = xv[g, pl.ds(ch * _LANES, _LANES)]
                    gidx[r, pl.ds(ch * _LANES, _LANES)] = raw + fld * VOCAB
            copies = []
            for r in range(g_per_s):
                copies.append(
                    pltpu.async_copy(
                        tab_hbm.at[gidx.at[r]],
                        rows.at[pl.ds(r * _GROUP, _GROUP)],
                        sem,
                    )
                )
            for c in copies:
                c.wait()
            pltpu.sync_copy(
                rows, out_hbm.at[pl.ds(row_base + s * rows_per_s, rows_per_s)]
            )
            return carry

        lax.fori_loop(0, n_super, super_body, 0)

    return sc_kernel, nw, groups_per_w


def kernel(x, tables):
    sc_kernel, nw, groups_per_w = _build_sc_kernel()
    tab_flat = tables.reshape(N_FIELDS * VOCAB, EMBED_DIM)
    x_flat = x.reshape(nw, groups_per_w, _GROUP)
    out = sc_kernel(tab_flat, x_flat)
    return out.reshape(BATCH, N_FIELDS * EMBED_DIM)

# --- scband reference (transcript-rebuilt; emitter-appended) ---
"""Pipeline reference for scband-multiple-embedding-layer-51719996178491 (READ-ONLY COPY).

The authoritative reference and input builder live on the scoring server;
editing this copy changes nothing except your own understanding.
"""

import jax, jax.numpy as jnp
import numpy as np

N_FIELDS = 26
VOCAB = 100000
EMBED_DIM = 32
BATCH = 16384


def setup_inputs(seed: int = 0) -> dict:
    key = jax.random.key(seed)
    k_idx, k_tab = jax.random.split(key)
    # indices for 26 categorical fields, each value in [0, VOCAB)
    x = jax.random.randint(k_idx, (BATCH, N_FIELDS), 0, VOCAB, dtype=jnp.int32)
    # one embedding table per field; all fields have the same vocab size here,
    # so we materialize them as a stacked tensor [N_FIELDS, VOCAB, EMBED_DIM]
    tables = jax.random.normal(k_tab, (N_FIELDS, VOCAB, EMBED_DIM), dtype=jnp.float32) * 0.05
    return {"x": x, "tables": tables}


def reference(x, tables):
    # per-field embedding lookup (gather), then concat along feature dim
    # embeddings[i] = tables[i][x[:, i]]  -> [BATCH, EMBED_DIM]
    embs = [jnp.take(tables[i], x[:, i], axis=0) for i in range(N_FIELDS)]
    stacked = jnp.stack(embs, axis=1)  # [BATCH, N_FIELDS, EMBED_DIM]
    out = stacked.reshape(x.shape[0], N_FIELDS * EMBED_DIM)  # matches torch.cat(dim=1)
    return out

if __name__ == "__main__":
    import jax
    _d = setup_inputs()
    print(jax.jit(kernel)(*tuple(_d.values())))

</pallas_src>

<mosaic_0001>
#map = affine_map<(d0, d1) -> (0, 0)>
#map1 = affine_map<(d0, d1) -> (0, 0, 0)>
module attributes {stable_mosaic.version = 14 : i64} {
  func.func @sc_kernel(%arg0: i32, %arg1: i32, %arg2: memref<2600000x32xf32, #tpu.memory_space<hbm>>, %arg3: memref<32x104x128xi32, #tpu.memory_space<hbm>>, %arg4: memref<425984x32xf32, #tpu.memory_space<hbm>>, %arg5: memref<104x128xi32, #tpu.memory_space<vmem>>, %arg6: memref<8x128xi32, #tpu.memory_space<vmem>>, %arg7: memref<1024x32xf32, #tpu.memory_space<vmem>>, %arg8: memref<!tpu.dma_semaphore, #tpu.memory_space<semaphore_mem>>) attributes {dimension_semantics = [#tpu.dimension_semantics<core_parallel>, #tpu.dimension_semantics<subcore_parallel>], iteration_bounds = array<i64: 2, 16>, scalar_prefetch = 0 : i64, scratch_operands = 4 : i64, tpu.core_type = #tpu.core_type<sc_vector_subcore>, window_params = [{transform_indices = #map}, {transform_indices = #map1}, {transform_indices = #map}]} {
    %mul3A = arith.constant 16 : i32
    %mul3A_0 = arith.muli %arg0, %mul3A : i32
    %add3A = arith.addi %mul3A_0, %arg1 : i32
    "tpu.region"() ({
      %run_scoped3A = tpu.sem_alloc : memref<!tpu.dma_semaphore, #tpu.memory_space<semaphore_mem>>
      %dma_start3A = arith.constant 0 : i32
      %dma_start3A_8 = arith.constant 0 : i32
      %dma_start3A_9 = tpu.memref_slice %arg3[%add3A, %dma_start3A, %dma_start3A_8] : memref<32x104x128xi32, #tpu.memory_space<hbm>> -> memref<1x104x128xi32, #tpu.memory_space<hbm>>
      %dma_start3A_10 = tpu.memref_squeeze %dma_start3A_9 : memref<1x104x128xi32, #tpu.memory_space<hbm>> -> memref<104x128xi32, #tpu.memory_space<hbm>>
      %dma_start3A_11 = arith.constant 0 : i32
      %dma_start3A_12 = arith.constant 0 : i32
      %dma_start3A_13 = tpu.memref_slice %arg3[%add3A, %dma_start3A_11, %dma_start3A_12] : memref<32x104x128xi32, #tpu.memory_space<hbm>> -> memref<1x104x128xi32, #tpu.memory_space<hbm>>
      %dma_start3A_14 = tpu.memref_squeeze %dma_start3A_13 : memref<1x104x128xi32, #tpu.memory_space<hbm>> -> memref<104x128xi32, #tpu.memory_space<hbm>>
      tpu.enqueue_dma source(%dma_start3A_14 : memref<104x128xi32, #tpu.memory_space<hbm>>) target(%arg5 : memref<104x128xi32, #tpu.memory_space<vmem>>) target_semaphore(%run_scoped3A : memref<!tpu.dma_semaphore, #tpu.memory_space<semaphore_mem>>)
      %dma_wait3A = arith.constant 0 : i32
      %dma_wait3A_15 = arith.constant 0 : i32
      %dma_wait3A_16 = tpu.memref_slice %arg3[%add3A, %dma_wait3A, %dma_wait3A_15] : memref<32x104x128xi32, #tpu.memory_space<hbm>> -> memref<1x104x128xi32, #tpu.memory_space<hbm>>
      %dma_wait3A_17 = tpu.memref_squeeze %dma_wait3A_16 : memref<1x104x128xi32, #tpu.memory_space<hbm>> -> memref<104x128xi32, #tpu.memory_space<hbm>>
      %dma_wait3A_18 = arith.constant 0 : i32
      %dma_wait3A_19 = arith.constant 0 : i32
      %dma_wait3A_20 = tpu.memref_slice %arg3[%add3A, %dma_wait3A_18, %dma_wait3A_19] : memref<32x104x128xi32, #tpu.memory_space<hbm>> -> memref<1x104x128xi32, #tpu.memory_space<hbm>>
      %dma_wait3A_21 = tpu.memref_squeeze %dma_wait3A_20 : memref<1x104x128xi32, #tpu.memory_space<hbm>> -> memref<104x128xi32, #tpu.memory_space<hbm>>
      tpu.wait_dma2 semaphore(%run_scoped3A : memref<!tpu.dma_semaphore, #tpu.memory_space<semaphore_mem>>) src(%dma_wait3A_21 : memref<104x128xi32, #tpu.memory_space<hbm>>) dst(%arg5 : memref<104x128xi32, #tpu.memory_space<vmem>>)
      tpu.yield
    }) : () -> ()
    %iota3A = tpu.iota {dimensions = array<i32: 0>} : vector<16xi32>
    %mul3A_1 = arith.constant 13312 : i32
    %mul3A_2 = arith.muli %add3A, %mul3A_1 : i32
    %scan3A = arith.constant 0 : i32
    %scan3A_3 = arith.constant 0 : i32
    %scan3A_4 = arith.constant 13 : i32
    %scan3A_5 = arith.addi %scan3A_3, %scan3A_4 : i32
    %scan3A_6 = arith.constant 1 : i32
    scf.for %scan3A_8 = %scan3A_3 to %scan3A_5 step %scan3A_6  : i32 {
      %mul3A_9 = arith.constant 8 : i32
      %mul3A_10 = arith.muli %scan3A_8, %mul3A_9 : i32
      %add3A_11 = arith.constant 0 : i32
      %add3A_12 = arith.addi %mul3A_10, %add3A_11 : i32
      %mul3A_13 = arith.constant 128 : i32
      %mul3A_14 = arith.muli %add3A_12, %mul3A_13 : i32
      %add3A_15 = arith.constant 0 : i32
      %add3A_16 = arith.addi %mul3A_14, %add3A_15 : i32
      %add3A_17 = vector.broadcast %add3A_16 : i32 to vector<16xi32>
      %add3A_18 = arith.addi %add3A_17, %iota3A : vector<16xi32>
      %rem3A = arith.constant 26 : i32
      %rem3A_19 = vector.broadcast %rem3A : i32 to vector<16xi32>
      %rem3A_20 = arith.remsi %add3A_18, %rem3A_19 : vector<16xi32>
      %get3A = arith.index_cast %add3A_12 : i32 to index
      %get3A_21 = arith.constant 0 : index
      %get3A_22 = tpu.vector_load %arg5[%get3A, %get3A_21] {strides = array<i32>} : memref<104x128xi32, #tpu.memory_space<vmem>>, vector<1x16xi32>,
      %get3A_23 = vector.shape_cast %get3A_22 : vector<1x16xi32> to vector<16xi32>
      %mul3A_24 = arith.constant 100000 : i32
      %mul3A_25 = vector.broadcast %mul3A_24 : i32 to vector<16xi32>
      %mul3A_26 = arith.muli %rem3A_20, %mul3A_25 : vector<16xi32>
      %add3A_27 = arith.addi %get3A_23, %mul3A_26 : vector<16xi32>
      %swap3A = arith.constant 0 : i32
      %swap3A_28 = arith.index_cast %swap3A : i32 to index
      %swap3A_29 = arith.constant 0 : index
      %swap3A_30 = tpu.vector_load %arg6[%swap3A_28, %swap3A_29] {strides = array<i32>} : memref<8x128xi32, #tpu.memory_space<vmem>>, vector<1x16xi32>,
      %swap3A_31 = vector.shape_cast %swap3A_30 : vector<1x16xi32> to vector<16xi32>
      %swap3A_32 = vector.shape_cast %add3A_27 : vector<16xi32> to vector<1x16xi32>
      tpu.vector_store %arg6[%swap3A_28, %swap3A_29], %swap3A_32 {strides = array<i32>} : memref<8x128xi32, #tpu.memory_space<vmem>>, vector<1x16xi32>,
      %mul3A_33 = arith.constant 128 : i32
      %mul3A_34 = arith.muli %add3A_12, %mul3A_33 : i32
      %add3A_35 = arith.constant 16 : i32
      %add3A_36 = arith.addi %mul3A_34, %add3A_35 : i32
      %add3A_37 = vector.broadcast %add3A_36 : i32 to vector<16xi32>
      %add3A_38 = arith.addi %add3A_37, %iota3A : vector<16xi32>
      %rem3A_39 = arith.constant 26 : i32
      %rem3A_40 = vector.broadcast %rem3A_39 : i32 to vector<16xi32>
      %rem3A_41 = arith.remsi %add3A_38, %rem3A_40 : vector<16xi32>
      %get3A_42 = arith.index_cast %add3A_12 : i32 to index
      %get3A_43 = arith.constant 16 : index
      %get3A_44 = tpu.vector_load %arg5[%get3A_42, %get3A_43] {strides = array<i32>} : memref<104x128xi32, #tpu.memory_space<vmem>>, vector<1x16xi32>,
      %get3A_45 = vector.shape_cast %get3A_44 : vector<1x16xi32> to vector<16xi32>
      %mul3A_46 = arith.constant 100000 : i32
      %mul3A_47 = vector.broadcast %mul3A_46 : i32 to vector<16xi32>
      %mul3A_48 = arith.muli %rem3A_41, %mul3A_47 : vector<16xi32>
      %add3A_49 = arith.addi %get3A_45, %mul3A_48 : vector<16xi32>
      %swap3A_50 = arith.constant 0 : i32
      %swap3A_51 = arith.index_cast %swap3A_50 : i32 to index
      %swap3A_52 = arith.constant 16 : index
      %swap3A_53 = tpu.vector_load %arg6[%swap3A_51, %swap3A_52] {strides = array<i32>} : memref<8x128xi32, #tpu.memory_space<vmem>>, vector<1x16xi32>,
      %swap3A_54 = vector.shape_cast %swap3A_53 : vector<1x16xi32> to vector<16xi32>
      %swap3A_55 = vector.shape_cast %add3A_49 : vector<16xi32> to vector<1x16xi32>
      tpu.vector_store %arg6[%swap3A_51, %swap3A_52], %swap3A_55 {strides = array<i32>} : memref<8x128xi32, #tpu.memory_space<vmem>>, vector<1x16xi32>,
      %mul3A_56 = arith.constant 128 : i32
      %mul3A_57 = arith.muli %add3A_12, %mul3A_56 : i32
      %add3A_58 = arith.constant 32 : i32
      %add3A_59 = arith.addi %mul3A_57, %add3A_58 : i32
      %add3A_60 = vector.broadcast %add3A_59 : i32 to vector<16xi32>
      %add3A_61 = arith.addi %add3A_60, %iota3A : vector<16xi32>
      %rem3A_62 = arith.constant 26 : i32
      %rem3A_63 = vector.broadcast %rem3A_62 : i32 to vector<16xi32>
      %rem3A_64 = arith.remsi %add3A_61, %rem3A_63 : vector<16xi32>
      %get3A_65 = arith.index_cast %add3A_12 : i32 to index
      %get3A_66 = arith.constant 32 : index
      %get3A_67 = tpu.vector_load %arg5[%get3A_65, %get3A_66] {strides = array<i32>} : memref<104x128xi32, #tpu.memory_space<vmem>>, vector<1x16xi32>,
      %get3A_68 = vector.shape_cast %get3A_67 : vector<1x16xi32> to vector<16xi32>
      %mul3A_69 = arith.constant 100000 : i32
      %mul3A_70 = vector.broadcast %mul3A_69 : i32 to vector<16xi32>
      %mul3A_71 = arith.muli %rem3A_64, %mul3A_70 : vector<16xi32>
      %add3A_72 = arith.addi %get3A_68, %mul3A_71 : vector<16xi32>
      %swap3A_73 = arith.constant 0 : i32
      %swap3A_74 = arith.index_cast %swap3A_73 : i32 to index
      %swap3A_75 = arith.constant 32 : index
      %swap3A_76 = tpu.vector_load %arg6[%swap3A_74, %swap3A_75] {strides = array<i32>} : memref<8x128xi32, #tpu.memory_space<vmem>>, vector<1x16xi32>,
      %swap3A_77 = vector.shape_cast %swap3A_76 : vector<1x16xi32> to vector<16xi32>
      %swap3A_78 = vector.shape_cast %add3A_72 : vector<16xi32> to vector<1x16xi32>
      tpu.vector_store %arg6[%swap3A_74, %swap3A_75], %swap3A_78 {strides = array<i32>} : memref<8x128xi32, #tpu.memory_space<vmem>>, vector<1x16xi32>,
      %mul3A_79 = arith.constant 128 : i32
      %mul3A_80 = arith.muli %add3A_12, %mul3A_79 : i32
      %add3A_81 = arith.constant 48 : i32
      %add3A_82 = arith.addi %mul3A_80, %add3A_81 : i32
      %add3A_83 = vector.broadcast %add3A_82 : i32 to vector<16xi32>
      %add3A_84 = arith.addi %add3A_83, %iota3A : vector<16xi32>
      %rem3A_85 = arith.constant 26 : i32
      %rem3A_86 = vector.broadcast %rem3A_85 : i32 to vector<16xi32>
      %rem3A_87 = arith.remsi %add3A_84, %rem3A_86 : vector<16xi32>
      %get3A_88 = arith.index_cast %add3A_12 : i32 to index
      %get3A_89 = arith.constant 48 : index
      %get3A_90 = tpu.vector_load %arg5[%get3A_88, %get3A_89] {strides = array<i32>} : memref<104x128xi32, #tpu.memory_space<vmem>>, vector<1x16xi32>,
      %get3A_91 = vector.shape_cast %get3A_90 : vector<1x16xi32> to vector<16xi32>
      %mul3A_92 = arith.constant 100000 : i32
      %mul3A_93 = vector.broadcast %mul3A_92 : i32 to vector<16xi32>
      %mul3A_94 = arith.muli %rem3A_87, %mul3A_93 : vector<16xi32>
      %add3A_95 = arith.addi %get3A_91, %mul3A_94 : vector<16xi32>
      %swap3A_96 = arith.constant 0 : i32
      %swap3A_97 = arith.index_cast %swap3A_96 : i32 to index
      %swap3A_98 = arith.constant 48 : index
      %swap3A_99 = tpu.vector_load %arg6[%swap3A_97, %swap3A_98] {strides = array<i32>} : memref<8x128xi32, #tpu.memory_space<vmem>>, vector<1x16xi32>,
      %swap3A_100 = vector.shape_cast %swap3A_99 : vector<1x16xi32> to vector<16xi32>
      %swap3A_101 = vector.shape_cast %add3A_95 : vector<16xi32> to vector<1x16xi32>
      tpu.vector_store %arg6[%swap3A_97, %swap3A_98], %swap3A_101 {strides = array<i32>} : memref<8x128xi32, #tpu.memory_space<vmem>>, vector<1x16xi32>,
      %mul3A_102 = arith.constant 128 : i32
      %mul3A_103 = arith.muli %add3A_12, %mul3A_102 : i32
      %add3A_104 = arith.constant 64 : i32
      %add3A_105 = arith.addi %mul3A_103, %add3A_104 : i32
      %add3A_106 = vector.broadcast %add3A_105 : i32 to vector<16xi32>
      %add3A_107 = arith.addi %add3A_106, %iota3A : vector<16xi32>
      %rem3A_108 = arith.constant 26 : i32
      %rem3A_109 = vector.broadcast %rem3A_108 : i32 to vector<16xi32>
      %rem3A_110 = arith.remsi %add3A_107, %rem3A_109 : vector<16xi32>
      %get3A_111 = arith.index_cast %add3A_12 : i32 to index
      %get3A_112 = arith.constant 64 : index
      %get3A_113 = tpu.vector_load %arg5[%get3A_111, %get3A_112] {strides = array<i32>} : memref<104x128xi32, #tpu.memory_space<vmem>>, vector<1x16xi32>,
      %get3A_114 = vector.shape_cast %get3A_113 : vector<1x16xi32> to vector<16xi32>
      %mul3A_115 = arith.constant 100000 : i32
      %mul3A_116 = vector.broadcast %mul3A_115 : i32 to vector<16xi32>
      %mul3A_117 = arith.muli %rem3A_110, %mul3A_116 : vector<16xi32>
      %add3A_118 = arith.addi %get3A_114, %mul3A_117 : vector<16xi32>
      %swap3A_119 = arith.constant 0 : i32
      %swap3A_120 = arith.index_cast %swap3A_119 : i32 to index
      %swap3A_121 = arith.constant 64 : index
      %swap3A_122 = tpu.vector_load %arg6[%swap3A_120, %swap3A_121] {strides = array<i32>} : memref<8x128xi32, #tpu.memory_space<vmem>>, vector<1x16xi32>,
      %swap3A_123 = vector.shape_cast %swap3A_122 : vector<1x16xi32> to vector<16xi32>
      %swap3A_124 = vector.shape_cast %add3A_118 : vector<16xi32> to vector<1x16xi32>
      tpu.vector_store %arg6[%swap3A_120, %swap3A_121], %swap3A_124 {strides = array<i32>} : memref<8x128xi32, #tpu.memory_space<vmem>>, vector<1x16xi32>,
      %mul3A_125 = arith.constant 128 : i32
      %mul3A_126 = arith.muli %add3A_12, %mul3A_125 : i32
      %add3A_127 = arith.constant 80 : i32
      %add3A_128 = arith.addi %mul3A_126, %add3A_127 : i32
      %add3A_129 = vector.broadcast %add3A_128 : i32 to vector<16xi32>
      %add3A_130 = arith.addi %add3A_129, %iota3A : vector<16xi32>
      %rem3A_131 = arith.constant 26 : i32
      %rem3A_132 = vector.broadcast %rem3A_131 : i32 to vector<16xi32>
      %rem3A_133 = arith.remsi %add3A_130, %rem3A_132 : vector<16xi32>
      %get3A_134 = arith.index_cast %add3A_12 : i32 to index
      %get3A_135 = arith.constant 80 : index
      %get3A_136 = tpu.vector_load %arg5[%get3A_134, %get3A_135] {strides = array<i32>} : memref<104x128xi32, #tpu.memory_space<vmem>>, vector<1x16xi32>,
      %get3A_137 = vector.shape_cast %get3A_136 : vector<1x16xi32> to vector<16xi32>
      %mul3A_138 = arith.constant 100000 : i32
      %mul3A_139 = vector.broadcast %mul3A_138 : i32 to vector<16xi32>
      %mul3A_140 = arith.muli %rem3A_133, %mul3A_139 : vector<16xi32>
      %add3A_141 = arith.addi %get3A_137, %mul3A_140 : vector<16xi32>
      %swap3A_142 = arith.constant 0 : i32
      %swap3A_143 = arith.index_cast %swap3A_142 : i32 to index
      %swap3A_144 = arith.constant 80 : index
      %swap3A_145 = tpu.vector_load %arg6[%swap3A_143, %swap3A_144] {strides = array<i32>} : memref<8x128xi32, #tpu.memory_space<vmem>>, vector<1x16xi32>,
      %swap3A_146 = vector.shape_cast %swap3A_145 : vector<1x16xi32> to vector<16xi32>
      %swap3A_147 = vector.shape_cast %add3A_141 : vector<16xi32> to vector<1x16xi32>
      tpu.vector_store %arg6[%swap3A_143, %swap3A_144], %swap3A_147 {strides = array<i32>} : memref<8x128xi32, #tpu.memory_space<vmem>>, vector<1x16xi32>,
      %mul3A_148 = arith.constant 128 : i32
      %mul3A_149 = arith.muli %add3A_12, %mul3A_148 : i32
      %add3A_150 = arith.constant 96 : i32
      %add3A_151 = arith.addi %mul3A_149, %add3A_150 : i32
      %add3A_152 = vector.broadcast %add3A_151 : i32 to vector<16xi32>
      %add3A_153 = arith.addi %add3A_152, %iota3A : vector<16xi32>
      %rem3A_154 = arith.constant 26 : i32
      %rem3A_155 = vector.broadcast %rem3A_154 : i32 to vector<16xi32>
      %rem3A_156 = arith.remsi %add3A_153, %rem3A_155 : vector<16xi32>
      %get3A_157 = arith.index_cast %add3A_12 : i32 to index
      %get3A_158 = arith.constant 96 : index
      %get3A_159 = tpu.vector_load %arg5[%get3A_157, %get3A_158] {strides = array<i32>} : memref<104x128xi32, #tpu.memory_space<vmem>>, vector<1x16xi32>,
      %get3A_160 = vector.shape_cast %get3A_159 : vector<1x16xi32> to vector<16xi32>
      %mul3A_161 = arith.constant 100000 : i32
      %mul3A_162 = vector.broadcast %mul3A_161 : i32 to vector<16xi32>
      %mul3A_163 = arith.muli %rem3A_156, %mul3A_162 : vector<16xi32>
      %add3A_164 = arith.addi %get3A_160, %mul3A_163 : vector<16xi32>
      %swap3A_165 = arith.constant 0 : i32
      %swap3A_166 = arith.index_cast %swap3A_165 : i32 to index
      %swap3A_167 = arith.constant 96 : index
      %swap3A_168 = tpu.vector_load %arg6[%swap3A_166, %swap3A_167] {strides = array<i32>} : memref<8x128xi32, #tpu.memory_space<vmem>>, vector<1x16xi32>,
      %swap3A_169 = vector.shape_cast %swap3A_168 : vector<1x16xi32> to vector<16xi32>
      %swap3A_170 = vector.shape_cast %add3A_164 : vector<16xi32> to vector<1x16xi32>
      tpu.vector_store %arg6[%swap3A_166, %swap3A_167], %swap3A_170 {strides = array<i32>} : memref<8x128xi32, #tpu.memory_space<vmem>>, vector<1x16xi32>,
      %mul3A_171 = arith.constant 128 : i32
      %mul3A_172 = arith.muli %add3A_12, %mul3A_171 : i32
      %add3A_173 = arith.constant 112 : i32
      %add3A_174 = arith.addi %mul3A_172, %add3A_173 : i32
      %add3A_175 = vector.broadcast %add3A_174 : i32 to vector<16xi32>
      %add3A_176 = arith.addi %add3A_175, %iota3A : vector<16xi32>
      %rem3A_177 = arith.constant 26 : i32
      %rem3A_178 = vector.broadcast %rem3A_177 : i32 to vector<16xi32>
      %rem3A_179 = arith.remsi %add3A_176, %rem3A_178 : vector<16xi32>
      %get3A_180 = arith.index_cast %add3A_12 : i32 to index
      %get3A_181 = arith.constant 112 : index
      %get3A_182 = tpu.vector_load %arg5[%get3A_180, %get3A_181] {strides = array<i32>} : memref<104x128xi32, #tpu.memory_space<vmem>>, vector<1x16xi32>,
      %get3A_183 = vector.shape_cast %get3A_182 : vector<1x16xi32> to vector<16xi32>
      %mul3A_184 = arith.constant 100000 : i32
      %mul3A_185 = vector.broadcast %mul3A_184 : i32 to vector<16xi32>
      %mul3A_186 = arith.muli %rem3A_179, %mul3A_185 : vector<16xi32>
      %add3A_187 = arith.addi %get3A_183, %mul3A_186 : vector<16xi32>
      %swap3A_188 = arith.constant 0 : i32
      %swap3A_189 = arith.index_cast %swap3A_188 : i32 to index
      %swap3A_190 = arith.constant 112 : index
      %swap3A_191 = tpu.vector_load %arg6[%swap3A_189, %swap3A_190] {strides = array<i32>} : memref<8x128xi32, #tpu.memory_space<vmem>>, vector<1x16xi32>,
      %swap3A_192 = vector.shape_cast %swap3A_191 : vector<1x16xi32> to vector<16xi32>
      %swap3A_193 = vector.shape_cast %add3A_187 : vector<16xi32> to vector<1x16xi32>
      tpu.vector_store %arg6[%swap3A_189, %swap3A_190], %swap3A_193 {strides = array<i32>} : memref<8x128xi32, #tpu.memory_space<vmem>>, vector<1x16xi32>,
      %mul3A_194 = arith.constant 8 : i32
      %mul3A_195 = arith.muli %scan3A_8, %mul3A_194 : i32
      %add3A_196 = arith.constant 1 : i32
      %add3A_197 = arith.addi %mul3A_195, %add3A_196 : i32
      %mul3A_198 = arith.constant 128 : i32
      %mul3A_199 = arith.muli %add3A_197, %mul3A_198 : i32
      %add3A_200 = arith.constant 0 : i32
      %add3A_201 = arith.addi %mul3A_199, %add3A_200 : i32
      %add3A_202 = vector.broadcast %add3A_201 : i32 to vector<16xi32>
      %add3A_203 = arith.addi %add3A_202, %iota3A : vector<16xi32>
      %rem3A_204 = arith.constant 26 : i32
      %rem3A_205 = vector.broadcast %rem3A_204 : i32 to vector<16xi32>
      %rem3A_206 = arith.remsi %add3A_203, %rem3A_205 : vector<16xi32>
      %get3A_207 = arith.index_cast %add3A_197 : i32 to index
      %get3A_208 = arith.constant 0 : index
      %get3A_209 = tpu.vector_load %arg5[%get3A_207, %get3A_208] {strides = array<i32>} : memref<104x128xi32, #tpu.memory_space<vmem>>, vector<1x16xi32>,
      %get3A_210 = vector.shape_cast %get3A_209 : vector<1x16xi32> to vector<16xi32>
      %mul3A_211 = arith.constant 100000 : i32
      %mul3A_212 = vector.broadcast %mul3A_211 : i32 to vector<16xi32>
      %mul3A_213 = arith.muli %rem3A_206, %mul3A_212 : vector<16xi32>
      %add3A_214 = arith.addi %get3A_210, %mul3A_213 : vector<16xi32>
      %swap3A_215 = arith.constant 1 : i32
      %swap3A_216 = arith.index_cast %swap3A_215 : i32 to index
      %swap3A_217 = arith.constant 0 : index
      %swap3A_218 = tpu.vector_load %arg6[%swap3A_216, %swap3A_217] {strides = array<i32>} : memref<8x128xi32, #tpu.memory_space<vmem>>, vector<1x16xi32>,
      %swap3A_219 = vector.shape_cast %swap3A_218 : vector<1x16xi32> to vector<16xi32>
      %swap3A_220 = vector.shape_cast %add3A_214 : vector<16xi32> to vector<1x16xi32>
      tpu.vector_store %arg6[%swap3A_216, %swap3A_217], %swap3A_220 {strides = array<i32>} : memref<8x128xi32, #tpu.memory_space<vmem>>, vector<1x16xi32>,
      %mul3A_221 = arith.constant 128 : i32
      %mul3A_222 = arith.muli %add3A_197, %mul3A_221 : i32
      %add3A_223 = arith.constant 16 : i32
      %add3A_224 = arith.addi %mul3A_222, %add3A_223 : i32
      %add3A_225 = vector.broadcast %add3A_224 : i32 to vector<16xi32>
      %add3A_226 = arith.addi %add3A_225, %iota3A : vector<16xi32>
      %rem3A_227 = arith.constant 26 : i32
      %rem3A_228 = vector.broadcast %rem3A_227 : i32 to vector<16xi32>
      %rem3A_229 = arith.remsi %add3A_226, %rem3A_228 : vector<16xi32>
      %get3A_230 = arith.index_cast %add3A_197 : i32 to index
      %get3A_231 = arith.constant 16 : index
      %get3A_232 = tpu.vector_load %arg5[%get3A_230, %get3A_231] {strides = array<i32>} : memref<104x128xi32, #tpu.memory_space<vmem>>, vector<1x16xi32>,
      %get3A_233 = vector.shape_cast %get3A_232 : vector<1x16xi32> to vector<16xi32>
      %mul3A_234 = arith.constant 100000 : i32
      %mul3A_235 = vector.broadcast %mul3A_234 : i32 to vector<16xi32>
      %mul3A_236 = arith.muli %rem3A_229, %mul3A_235 : vector<16xi32>
      %add3A_237 = arith.addi %get3A_233, %mul3A_236 : vector<16xi32>
      %swap3A_238 = arith.constant 1 : i32
      %swap3A_239 = arith.index_cast %swap3A_238 : i32 to index
      %swap3A_240 = arith.constant 16 : index
      %swap3A_241 = tpu.vector_load %arg6[%swap3A_239, %swap3A_240] {strides = array<i32>} : memref<8x128xi32, #tpu.memory_space<vmem>>, vector<1x16xi32>,
      %swap3A_242 = vector.shape_cast %swap3A_241 : vector<1x16xi32> to vector<16xi32>
      %swap3A_243 = vector.shape_cast %add3A_237 : vector<16xi32> to vector<1x16xi32>
      tpu.vector_store %arg6[%swap3A_239, %swap3A_240], %swap3A_243 {strides = array<i32>} : memref<8x128xi32, #tpu.memory_space<vmem>>, vector<1x16xi32>,
      %mul3A_244 = arith.constant 128 : i32
      %mul3A_245 = arith.muli %add3A_197, %mul3A_244 : i32
      %add3A_246 = arith.constant 32 : i32
      %add3A_247 = arith.addi %mul3A_245, %add3A_246 : i32
      %add3A_248 = vector.broadcast %add3A_247 : i32 to vector<16xi32>
      %add3A_249 = arith.addi %add3A_248, %iota3A : vector<16xi32>
      %rem3A_250 = arith.constant 26 : i32
      %rem3A_251 = vector.broadcast %rem3A_250 : i32 to vector<16xi32>
      %rem3A_252 = arith.remsi %add3A_249, %rem3A_251 : vector<16xi32>
      %get3A_253 = arith.index_cast %add3A_197 : i32 to index
      %get3A_254 = arith.constant 32 : index
      %get3A_255 = tpu.vector_load %arg5[%get3A_253, %get3A_254] {strides = array<i32>} : memref<104x128xi32, #tpu.memory_space<vmem>>, vector<1x16xi32>,
      %get3A_256 = vector.shape_cast %get3A_255 : vector<1x16xi32> to vector<16xi32>
      %mul3A_257 = arith.constant 100000 : i32
      %mul3A_258 = vector.broadcast %mul3A_257 : i32 to vector<16xi32>
      %mul3A_259 = arith.muli %rem3A_252, %mul3A_258 : vector<16xi32>
      %add3A_260 = arith.addi %get3A_256, %mul3A_259 : vector<16xi32>
      %swap3A_261 = arith.constant 1 : i32
      %swap3A_262 = arith.index_cast %swap3A_261 : i32 to index
      %swap3A_263 = arith.constant 32 : index
      %swap3A_264 = tpu.vector_load %arg6[%swap3A_262, %swap3A_263] {strides = array<i32>} : memref<8x128xi32, #tpu.memory_space<vmem>>, vector<1x16xi32>,
      %swap3A_265 = vector.shape_cast %swap3A_264 : vector<1x16xi32> to vector<16xi32>
      %swap3A_266 = vector.shape_cast %add3A_260 : vector<16xi32> to vector<1x16xi32>
      tpu.vector_store %arg6[%swap3A_262, %swap3A_263], %swap3A_266 {strides = array<i32>} : memref<8x128xi32, #tpu.memory_space<vmem>>, vector<1x16xi32>,
      %mul3A_267 = arith.constant 128 : i32
      %mul3A_268 = arith.muli %add3A_197, %mul3A_267 : i32
      %add3A_269 = arith.constant 48 : i32
      %add3A_270 = arith.addi %mul3A_268, %add3A_269 : i32
      %add3A_271 = vector.broadcast %add3A_270 : i32 to vector<16xi32>
      %add3A_272 = arith.addi %add3A_271, %iota3A : vector<16xi32>
      %rem3A_273 = arith.constant 26 : i32
      %rem3A_274 = vector.broadcast %rem3A_273 : i32 to vector<16xi32>
      %rem3A_275 = arith.remsi %add3A_272, %rem3A_274 : vector<16xi32>
      %get3A_276 = arith.index_cast %add3A_197 : i32 to index
      %get3A_277 = arith.constant 48 : index
      %get3A_278 = tpu.vector_load %arg5[%get3A_276, %get3A_277] {strides = array<i32>} : memref<104x128xi32, #tpu.memory_space<vmem>>, vector<1x16xi32>,
      %get3A_279 = vector.shape_cast %get3A_278 : vector<1x16xi32> to vector<16xi32>
      %mul3A_280 = arith.constant 100000 : i32
      %mul3A_281 = vector.broadcast %mul3A_280 : i32 to vector<16xi32>
      %mul3A_282 = arith.muli %rem3A_275, %mul3A_281 : vector<16xi32>
      %add3A_283 = arith.addi %get3A_279, %mul3A_282 : vector<16xi32>
      %swap3A_284 = arith.constant 1 : i32
      %swap3A_285 = arith.index_cast %swap3A_284 : i32 to index
      %swap3A_286 = arith.constant 48 : index
      %swap3A_287 = tpu.vector_load %arg6[%swap3A_285, %swap3A_286] {strides = array<i32>} : memref<8x128xi32, #tpu.memory_space<vmem>>, vector<1x16xi32>,
      %swap3A_288 = vector.shape_cast %swap3A_287 : vector<1x16xi32> to vector<16xi32>
      %swap3A_289 = vector.shape_cast %add3A_283 : vector<16xi32> to vector<1x16xi32>
      tpu.vector_store %arg6[%swap3A_285, %swap3A_286], %swap3A_289 {strides = array<i32>} : memref<8x128xi32, #tpu.memory_space<vmem>>, vector<1x16xi32>,
      %mul3A_290 = arith.constant 128 : i32
      %mul3A_291 = arith.muli %add3A_197, %mul3A_290 : i32
      %add3A_292 = arith.constant 64 : i32
      %add3A_293 = arith.addi %mul3A_291, %add3A_292 : i32
      %add3A_294 = vector.broadcast %add3A_293 : i32 to vector<16xi32>
      %add3A_295 = arith.addi %add3A_294, %iota3A : vector<16xi32>
      %rem3A_296 = arith.constant 26 : i32
      %rem3A_297 = vector.broadcast %rem3A_296 : i32 to vector<16xi32>
      %rem3A_298 = arith.remsi %add3A_295, %rem3A_297 : vector<16xi32>
      %get3A_299 = arith.index_cast %add3A_197 : i32 to index
      %get3A_300 = arith.constant 64 : index
      %get3A_301 = tpu.vector_load %arg5[%get3A_299, %get3A_300] {strides = array<i32>} : memref<104x128xi32, #tpu.memory_space<vmem>>, vector<1x16xi32>,
      %get3A_302 = vector.shape_cast %get3A_301 : vector<1x16xi32> to vector<16xi32>
      %mul3A_303 = arith.constant 100000 : i32
      %mul3A_304 = vector.broadcast %mul3A_303 : i32 to vector<16xi32>
      %mul3A_305 = arith.muli %rem3A_298, %mul3A_304 : vector<16xi32>
      %add3A_306 = arith.addi %get3A_302, %mul3A_305 : vector<16xi32>
      %swap3A_307 = arith.constant 1 : i32
      %swap3A_308 = arith.index_cast %swap3A_307 : i32 to index
      %swap3A_309 = arith.constant 64 : index
      %swap3A_310 = tpu.vector_load %arg6[%swap3A_308, %swap3A_309] {strides = array<i32>} : memref<8x128xi32, #tpu.memory_space<vmem>>, vector<1x16xi32>,
      %swap3A_311 = vector.shape_cast %swap3A_310 : vector<1x16xi32> to vector<16xi32>
      %swap3A_312 = vector.shape_cast %add3A_306 : vector<16xi32> to vector<1x16xi32>
      tpu.vector_store %arg6[%swap3A_308, %swap3A_309], %swap3A_312 {strides = array<i32>} : memref<8x128xi32, #tpu.memory_space<vmem>>, vector<1x16xi32>,
      %mul3A_313 = arith.constant 128 : i32
      %mul3A_314 = arith.muli %add3A_197, %mul3A_313 : i32
      %add3A_315 = arith.constant 80 : i32
      %add3A_316 = arith.addi %mul3A_314, %add3A_315 : i32
      %add3A_317 = vector.broadcast %add3A_316 : i32 to vector<16xi32>
      %add3A_318 = arith.addi %add3A_317, %iota3A : vector<16xi32>
      %rem3A_319 = arith.constant 26 : i32
      %rem3A_320 = vector.broadcast %rem3A_319 : i32 to vector<16xi32>
      %rem3A_321 = arith.remsi %add3A_318, %rem3A_320 : vector<16xi32>
      %get3A_322 = arith.index_cast %add3A_197 : i32 to index
      %get3A_323 = arith.constant 80 : index
      %get3A_324 = tpu.vector_load %arg5[%get3A_322, %get3A_323] {strides = array<i32>} : memref<104x128xi32, #tpu.memory_space<vmem>>, vector<1x16xi32>,
      %get3A_325 = vector.shape_cast %get3A_324 : vector<1x16xi32> to vector<16xi32>
      %mul3A_326 = arith.constant 100000 : i32
      %mul3A_327 = vector.broadcast %mul3A_326 : i32 to vector<16xi32>
      %mul3A_328 = arith.muli %rem3A_321, %mul3A_327 : vector<16xi32>
      %add3A_329 = arith.addi %get3A_325, %mul3A_328 : vector<16xi32>
      %swap3A_330 = arith.constant 1 : i32
      %swap3A_331 = arith.index_cast %swap3A_330 : i32 to index
      %swap3A_332 = arith.constant 80 : index
      %swap3A_333 = tpu.vector_load %arg6[%swap3A_331, %swap3A_332] {strides = array<i32>} : memref<8x128xi32, #tpu.memory_space<vmem>>, vector<1x16xi32>,
      %swap3A_334 = vector.shape_cast %swap3A_333 : vector<1x16xi32> to vector<16xi32>
      %swap3A_335 = vector.shape_cast %add3A_329 : vector<16xi32> to vector<1x16xi32>
      tpu.vector_store %arg6[%swap3A_331, %swap3A_332], %swap3A_335 {strides = array<i32>} : memref<8x128xi32, #tpu.memory_space<vmem>>, vector<1x16xi32>,
      %mul3A_336 = arith.constant 128 : i32
      %mul3A_337 = arith.muli %add3A_197, %mul3A_336 : i32
      %add3A_338 = arith.constant 96 : i32
      %add3A_339 = arith.addi %mul3A_337, %add3A_338 : i32
      %add3A_340 = vector.broadcast %add3A_339 : i32 to vector<16xi32>
      %add3A_341 = arith.addi %add3A_340, %iota3A : vector<16xi32>
      %rem3A_342 = arith.constant 26 : i32
      %rem3A_343 = vector.broadcast %rem3A_342 : i32 to vector<16xi32>
      %rem3A_344 = arith.remsi %add3A_341, %rem3A_343 : vector<16xi32>
      %get3A_345 = arith.index_cast %add3A_197 : i32 to index
      %get3A_346 = arith.constant 96 : index
      %get3A_347 = tpu.vector_load %arg5[%get3A_345, %get3A_346] {strides = array<i32>} : memref<104x128xi32, #tpu.memory_space<vmem>>, vector<1x16xi32>,
      %get3A_348 = vector.shape_cast %get3A_347 : vector<1x16xi32> to vector<16xi32>
      %mul3A_349 = arith.constant 100000 : i32
      %mul3A_350 = vector.broadcast %mul3A_349 : i32 to vector<16xi32>
      %mul3A_351 = arith.muli %rem3A_344, %mul3A_350 : vector<16xi32>
      %add3A_352 = arith.addi %get3A_348, %mul3A_351 : vector<16xi32>
      %swap3A_353 = arith.constant 1 : i32
      %swap3A_354 = arith.index_cast %swap3A_353 : i32 to index
      %swap3A_355 = arith.constant 96 : index
      %swap3A_356 = tpu.vector_load %arg6[%swap3A_354, %swap3A_355] {strides = array<i32>} : memref<8x128xi32, #tpu.memory_space<vmem>>, vector<1x16xi32>,
      %swap3A_357 = vector.shape_cast %swap3A_356 : vector<1x16xi32> to vector<16xi32>
      %swap3A_358 = vector.shape_cast %add3A_352 : vector<16xi32> to vector<1x16xi32>
      tpu.vector_store %arg6[%swap3A_354, %swap3A_355], %swap3A_358 {strides = array<i32>} : memref<8x128xi32, #tpu.memory_space<vmem>>, vector<1x16xi32>,
      %mul3A_359 = arith.constant 128 : i32
      %mul3A_360 = arith.muli %add3A_197, %mul3A_359 : i32
      %add3A_361 = arith.constant 112 : i32
      %add3A_362 = arith.addi %mul3A_360, %add3A_361 : i32
      %add3A_363 = vector.broadcast %add3A_362 : i32 to vector<16xi32>
      %add3A_364 = arith.addi %add3A_363, %iota3A : vector<16xi32>
      %rem3A_365 = arith.constant 26 : i32
      %rem3A_366 = vector.broadcast %rem3A_365 : i32 to vector<16xi32>
      %rem3A_367 = arith.remsi %add3A_364, %rem3A_366 : vector<16xi32>
      %get3A_368 = arith.index_cast %add3A_197 : i32 to index
      %get3A_369 = arith.constant 112 : index
      %get3A_370 = tpu.vector_load %arg5[%get3A_368, %get3A_369] {strides = array<i32>} : memref<104x128xi32, #tpu.memory_space<vmem>>, vector<1x16xi32>,
      %get3A_371 = vector.shape_cast %get3A_370 : vector<1x16xi32> to vector<16xi32>
      %mul3A_372 = arith.constant 100000 : i32
      %mul3A_373 = vector.broadcast %mul3A_372 : i32 to vector<16xi32>
      %mul3A_374 = arith.muli %rem3A_367, %mul3A_373 : vector<16xi32>
      %add3A_375 = arith.addi %get3A_371, %mul3A_374 : vector<16xi32>
      %swap3A_376 = arith.constant 1 : i32
      %swap3A_377 = arith.index_cast %swap3A_376 : i32 to index
      %swap3A_378 = arith.constant 112 : index
      %swap3A_379 = tpu.vector_load %arg6[%swap3A_377, %swap3A_378] {strides = array<i32>} : memref<8x128xi32, #tpu.memory_space<vmem>>, vector<1x16xi32>,
      %swap3A_380 = vector.shape_cast %swap3A_379 : vector<1x16xi32> to vector<16xi32>
      %swap3A_381 = vector.shape_cast %add3A_375 : vector<16xi32> to vector<1x16xi32>
      tpu.vector_store %arg6[%swap3A_377, %swap3A_378], %swap3A_381 {strides = array<i32>} : memref<8x128xi32, #tpu.memory_space<vmem>>, vector<1x16xi32>,
      %mul3A_382 = arith.constant 8 : i32
      %mul3A_383 = arith.muli %scan3A_8, %mul3A_382 : i32
      %add3A_384 = arith.constant 2 : i32
      %add3A_385 = arith.addi %mul3A_383, %add3A_384 : i32
      %mul3A_386 = arith.constant 128 : i32
      %mul3A_387 = arith.muli %add3A_385, %mul3A_386 : i32
      %add3A_388 = arith.constant 0 : i32
      %add3A_389 = arith.addi %mul3A_387, %add3A_388 : i32
      %add3A_390 = vector.broadcast %add3A_389 : i32 to vector<16xi32>
      %add3A_391 = arith.addi %add3A_390, %iota3A : vector<16xi32>
      %rem3A_392 = arith.constant 26 : i32
      %rem3A_393 = vector.broadcast %rem3A_392 : i32 to vector<16xi32>
      %rem3A_394 = arith.remsi %add3A_391, %rem3A_393 : vector<16xi32>
      %get3A_395 = arith.index_cast %add3A_385 : i32 to index
      %get3A_396 = arith.constant 0 : index
      %get3A_397 = tpu.vector_load %arg5[%get3A_395, %get3A_396] {strides = array<i32>} : memref<104x128xi32, #tpu.memory_space<vmem>>, vector<1x16xi32>,
      %get3A_398 = vector.shape_cast %get3A_397 : vector<1x16xi32> to vector<16xi32>
      %mul3A_399 = arith.constant 100000 : i32
      %mul3A_400 = vector.broadcast %mul3A_399 : i32 to vector<16xi32>
      %mul3A_401 = arith.muli %rem3A_394, %mul3A_400 : vector<16xi32>
      %add3A_402 = arith.addi %get3A_398, %mul3A_401 : vector<16xi32>
      %swap3A_403 = arith.constant 2 : i32
      %swap3A_404 = arith.index_cast %swap3A_403 : i32 to index
      %swap3A_405 = arith.constant 0 : index
      %swap3A_406 = tpu.vector_load %arg6[%swap3A_404, %swap3A_405] {strides = array<i32>} : memref<8x128xi32, #tpu.memory_space<vmem>>, vector<1x16xi32>,
      %swap3A_407 = vector.shape_cast %swap3A_406 : vector<1x16xi32> to vector<16xi32>
      %swap3A_408 = vector.shape_cast %add3A_402 : vector<16xi32> to vector<1x16xi32>
      tpu.vector_store %arg6[%swap3A_404, %swap3A_405], %swap3A_408 {strides = array<i32>} : memref<8x128xi32, #tpu.memory_space<vmem>>, vector<1x16xi32>,
      %mul3A_409 = arith.constant 128 : i32
      %mul3A_410 = arith.muli %add3A_385, %mul3A_409 : i32
      %add3A_411 = arith.constant 16 : i32
      %add3A_412 = arith.addi %mul3A_410, %add3A_411 : i32
      %add3A_413 = vector.broadcast %add3A_412 : i32 to vector<16xi32>
      %add3A_414 = arith.addi %add3A_413, %iota3A : vector<16xi32>
      %rem3A_415 = arith.constant 26 : i32
      %rem3A_416 = vector.broadcast %rem3A_415 : i32 to vector<16xi32>
      %rem3A_417 = arith.remsi %add3A_414, %rem3A_416 : vector<16xi32>
      %get3A_418 = arith.index_cast %add3A_385 : i32 to index
      %get3A_419 = arith.constant 16 : index
      %get3A_420 = tpu.vector_load %arg5[%get3A_418, %get3A_419] {strides = array<i32>} : memref<104x128xi32, #tpu.memory_space<vmem>>, vector<1x16xi32>,
      %get3A_421 = vector.shape_cast %get3A_420 : vector<1x16xi32> to vector<16xi32>
      %mul3A_422 = arith.constant 100000 : i32
      %mul3A_423 = vector.broadcast %mul3A_422 : i32 to vector<16xi32>
      %mul3A_424 = arith.muli %rem3A_417, %mul3A_423 : vector<16xi32>
      %add3A_425 = arith.addi %get3A_421, %mul3A_424 : vector<16xi32>
      %swap3A_426 = arith.constant 2 : i32
      %swap3A_427 = arith.index_cast %swap3A_426 : i32 to index
      %swap3A_428 = arith.constant 16 : index
      %swap3A_429 = tpu.vector_load %arg6[%swap3A_427, %swap3A_428] {strides = array<i32>} : memref<8x128xi32, #tpu.memory_space<vmem>>, vector<1x16xi32>,
      %swap3A_430 = vector.shape_cast %swap3A_429 : vector<1x16xi32> to vector<16xi32>
      %swap3A_431 = vector.shape_cast %add3A_425 : vector<16xi32> to vector<1x16xi32>
      tpu.vector_store %arg6[%swap3A_427, %swap3A_428], %swap3A_431 {strides = array<i32>} : memref<8x128xi32, #tpu.memory_space<vmem>>, vector<1x16xi32>,
      %mul3A_432 = arith.constant 128 : i32
      %mul3A_433 = arith.muli %add3A_385, %mul3A_432 : i32
      %add3A_434 = arith.constant 32 : i32
      %add3A_435 = arith.addi %mul3A_433, %add3A_434 : i32
      %add3A_436 = vector.broadcast %add3A_435 : i32 to vector<16xi32>
      %add3A_437 = arith.addi %add3A_436, %iota3A : vector<16xi32>
      %rem3A_438 = arith.constant 26 : i32
      %rem3A_439 = vector.broadcast %rem3A_438 : i32 to vector<16xi32>
      %rem3A_440 = arith.remsi %add3A_437, %rem3A_439 : vector<16xi32>
      %get3A_441 = arith.index_cast %add3A_385 : i32 to index
      %get3A_442 = arith.constant 32 : index
      %get3A_443 = tpu.vector_load %arg5[%get3A_441, %get3A_442] {strides = array<i32>} : memref<104x128xi32, #tpu.memory_space<vmem>>, vector<1x16xi32>,
      %get3A_444 = vector.shape_cast %get3A_443 : vector<1x16xi32> to vector<16xi32>
      %mul3A_445 = arith.constant 100000 : i32
      %mul3A_446 = vector.broadcast %mul3A_445 : i32 to vector<16xi32>
      %mul3A_447 = arith.muli %rem3A_440, %mul3A_446 : vector<16xi32>
      %add3A_448 = arith.addi %get3A_444, %mul3A_447 : vector<16xi32>
      %swap3A_449 = arith.constant 2 : i32
      %swap3A_450 = arith.index_cast %swap3A_449 : i32 to index
      %swap3A_451 = arith.constant 32 : index
      %swap3A_452 = tpu.vector_load %arg6[%swap3A_450, %swap3A_451] {strides = array<i32>} : memref<8x128xi32, #tpu.memory_space<vmem>>, vector<1x16xi32>,
      %swap3A_453 = vector.shape_cast %swap3A_452 : vector<1x16xi32> to vector<16xi32>
      %swap3A_454 = vector.shape_cast %add3A_448 : vector<16xi32> to vector<1x16xi32>
      tpu.vector_store %arg6[%swap3A_450, %swap3A_451], %swap3A_454 {strides = array<i32>} : memref<8x128xi32, #tpu.memory_space<vmem>>, vector<1x16xi32>,
      %mul3A_455 = arith.constant 128 : i32
      %mul3A_456 = arith.muli %add3A_385, %mul3A_455 : i32
      %add3A_457 = arith.constant 48 : i32
      %add3A_458 = arith.addi %mul3A_456, %add3A_457 : i32
      %add3A_459 = vector.broadcast %add3A_458 : i32 to vector<16xi32>
      %add3A_460 = arith.addi %add3A_459, %iota3A : vector<16xi32>
      %rem3A_461 = arith.constant 26 : i32
      %rem3A_462 = vector.broadcast %rem3A_461 : i32 to vector<16xi32>
      %rem3A_463 = arith.remsi %add3A_460, %rem3A_462 : vector<16xi32>
      %get3A_464 = arith.index_cast %add3A_385 : i32 to index
      %get3A_465 = arith.constant 48 : index
      %get3A_466 = tpu.vector_load %arg5[%get3A_464, %get3A_465] {strides = array<i32>} : memref<104x128xi32, #tpu.memory_space<vmem>>, vector<1x16xi32>,
      %get3A_467 = vector.shape_cast %get3A_466 : vector<1x16xi32> to vector<16xi32>
      %mul3A_468 = arith.constant 100000 : i32
      %mul3A_469 = vector.broadcast %mul3A_468 : i32 to vector<16xi32>
      %mul3A_470 = arith.muli %rem3A_463, %mul3A_469 : vector<16xi32>
      %add3A_471 = arith.addi %get3A_467, %mul3A_470 : vector<16xi32>
      %swap3A_472 = arith.constant 2 : i32
      %swap3A_473 = arith.index_cast %swap3A_472 : i32 to index
      %swap3A_474 = arith.constant 48 : index
      %swap3A_475 = tpu.vector_load %arg6[%swap3A_473, %swap3A_474] {strides = array<i32>} : memref<8x128xi32, #tpu.memory_space<vmem>>, vector<1x16xi32>,
      %swap3A_476 = vector.shape_cast %swap3A_475 : vector<1x16xi32> to vector<16xi32>
      %swap3A_477 = vector.shape_cast %add3A_471 : vector<16xi32> to vector<1x16xi32>
      tpu.vector_store %arg6[%swap3A_473, %swap3A_474], %swap3A_477 {strides = array<i32>} : memref<8x128xi32, #tpu.memory_space<vmem>>, vector<1x16xi32>,
      %mul3A_478 = arith.constant 128 : i32
      %mul3A_479 = arith.muli %add3A_385, %mul3A_478 : i32
      %add3A_480 = arith.constant 64 : i32
      %add3A_481 = arith.addi %mul3A_479, %add3A_480 : i32
      %add3A_482 = vector.broadcast %add3A_481 : i32 to vector<16xi32>
      %add3A_483 = arith.addi %add3A_482, %iota3A : vector<16xi32>
      %rem3A_484 = arith.constant 26 : i32
      %rem3A_485 = vector.broadcast %rem3A_484 : i32 to vector<16xi32>
      %rem3A_486 = arith.remsi %add3A_483, %rem3A_485 : vector<16xi32>
      %get3A_487 = arith.index_cast %add3A_385 : i32 to index
      %get3A_488 = arith.constant 64 : index
      %get3A_489 = tpu.vector_load %arg5[%get3A_487, %get3A_488] {strides = array<i32>} : memref<104x128xi32, #tpu.memory_space<vmem>>, vector<1x16xi32>,
      %get3A_490 = vector.shape_cast %get3A_489 : vector<1x16xi32> to vector<16xi32>
      %mul3A_491 = arith.constant 100000 : i32
      %mul3A_492 = vector.broadcast %mul3A_491 : i32 to vector<16xi32>
      %mul3A_493 = arith.muli %rem3A_486, %mul3A_492 : vector<16xi32>
      %add3A_494 = arith.addi %get3A_490, %mul3A_493 : vector<16xi32>
      %swap3A_495 = arith.constant 2 : i32
      %swap3A_496 = arith.index_cast %swap3A_495 : i32 to index
      %swap3A_497 = arith.constant 64 : index
      %swap3A_498 = tpu.vector_load %arg6[%swap3A_496, %swap3A_497] {strides = array<i32>} : memref<8x128xi32, #tpu.memory_space<vmem>>, vector<1x16xi32>,
      %swap3A_499 = vector.shape_cast %swap3A_498 : vector<1x16xi32> to vector<16xi32>
      %swap3A_500 = vector.shape_cast %add3A_494 : vector<16xi32> to vector<1x16xi32>
      tpu.vector_store %arg6[%swap3A_496, %swap3A_497], %swap3A_500 {strides = array<i32>} : memref<8x128xi32, #tpu.memory_space<vmem>>, vector<1x16xi32>,
      %mul3A_501 = arith.constant 128 : i32
      %mul3A_502 = arith.muli %add3A_385, %mul3A_501 : i32
      %add3A_503 = arith.constant 80 : i32
      %add3A_504 = arith.addi %mul3A_502, %add3A_503 : i32
      %add3A_505 = vector.broadcast %add3A_504 : i32 to vector<16xi32>
      %add3A_506 = arith.addi %add3A_505, %iota3A : vector<16xi32>
      %rem3A_507 = arith.constant 26 : i32
      %rem3A_508 = vector.broadcast %rem3A_507 : i32 to vector<16xi32>
      %rem3A_509 = arith.remsi %add3A_506, %rem3A_508 : vector<16xi32>
      %get3A_510 = arith.index_cast %add3A_385 : i32 to index
      %get3A_511 = arith.constant 80 : index
      %get3A_512 = tpu.vector_load %arg5[%get3A_510, %get3A_511] {strides = array<i32>} : memref<104x128xi32, #tpu.memory_space<vmem>>, vector<1x16xi32>,
      %get3A_513 = vector.shape_cast %get3A_512 : vector<1x16xi32> to vector<16xi32>
      %mul3A_514 = arith.constant 100000 : i32
      %mul3A_515 = vector.broadcast %mul3A_514 : i32 to vector<16xi32>
      %mul3A_516 = arith.muli %rem3A_509, %mul3A_515 : vector<16xi32>
      %add3A_517 = arith.addi %get3A_513, %mul3A_516 : vector<16xi32>
      %swap3A_518 = arith.constant 2 : i32
      %swap3A_519 = arith.index_cast %swap3A_518 : i32 to index
      %swap3A_520 = arith.constant 80 : index
      %swap3A_521 = tpu.vector_load %arg6[%swap3A_519, %swap3A_520] {strides = array<i32>} : memref<8x128xi32, #tpu.memory_space<vmem>>, vector<1x16xi32>,
      %swap3A_522 = vector.shape_cast %swap3A_521 : vector<1x16xi32> to vector<16xi32>
      %swap3A_523 = vector.shape_cast %add3A_517 : vector<16xi32> to vector<1x16xi32>
      tpu.vector_store %arg6[%swap3A_519, %swap3A_520], %swap3A_523 {strides = array<i32>} : memref<8x128xi32, #tpu.memory_space<vmem>>, vector<1x16xi32>,
      %mul3A_524 = arith.constant 128 : i32
      %mul3A_525 = arith.muli %add3A_385, %mul3A_524 : i32
      %add3A_526 = arith.constant 96 : i32
      %add3A_527 = arith.addi %mul3A_525, %add3A_526 : i32
      %add3A_528 = vector.broadcast %add3A_527 : i32 to vector<16xi32>
      %add3A_529 = arith.addi %add3A_528, %iota3A : vector<16xi32>
      %rem3A_530 = arith.constant 26 : i32
      %rem3A_531 = vector.broadcast %rem3A_530 : i32 to vector<16xi32>
      %rem3A_532 = arith.remsi %add3A_529, %rem3A_531 : vector<16xi32>
      %get3A_533 = arith.index_cast %add3A_385 : i32 to index
      %get3A_534 = arith.constant 96 : index
      %get3A_535 = tpu.vector_load %arg5[%get3A_533, %get3A_534] {strides = array<i32>} : memref<104x128xi32, #tpu.memory_space<vmem>>, vector<1x16xi32>,
      %get3A_536 = vector.shape_cast %get3A_535 : vector<1x16xi32> to vector<16xi32>
      %mul3A_537 = arith.constant 100000 : i32
      %mul3A_538 = vector.broadcast %mul3A_537 : i32 to vector<16xi32>
      %mul3A_539 = arith.muli %rem3A_532, %mul3A_538 : vector<16xi32>
      %add3A_540 = arith.addi %get3A_536, %mul3A_539 : vector<16xi32>
      %swap3A_541 = arith.constant 2 : i32
      %swap3A_542 = arith.index_cast %swap3A_541 : i32 to index
      %swap3A_543 = arith.constant 96 : index
      %swap3A_544 = tpu.vector_load %arg6[%swap3A_542, %swap3A_543] {strides = array<i32>} : memref<8x128xi32, #tpu.memory_space<vmem>>, vector<1x16xi32>,
      %swap3A_545 = vector.shape_cast %swap3A_544 : vector<1x16xi32> to vector<16xi32>
      %swap3A_546 = vector.shape_cast %add3A_540 : vector<16xi32> to vector<1x16xi32>
      tpu.vector_store %arg6[%swap3A_542, %swap3A_543], %swap3A_546 {strides = array<i32>} : memref<8x128xi32, #tpu.memory_space<vmem>>, vector<1x16xi32>,
      %mul3A_547 = arith.constant 128 : i32
      %mul3A_548 = arith.muli %add3A_385, %mul3A_547 : i32
      %add3A_549 = arith.constant 112 : i32
      %add3A_550 = arith.addi %mul3A_548, %add3A_549 : i32
      %add3A_551 = vector.broadcast %add3A_550 : i32 to vector<16xi32>
      %add3A_552 = arith.addi %add3A_551, %iota3A : vector<16xi32>
      %rem3A_553 = arith.constant 26 : i32
      %rem3A_554 = vector.broadcast %rem3A_553 : i32 to vector<16xi32>
      %rem3A_555 = arith.remsi %add3A_552, %rem3A_554 : vector<16xi32>
      %get3A_556 = arith.index_cast %add3A_385 : i32 to index
      %get3A_557 = arith.constant 112 : index
      %get3A_558 = tpu.vector_load %arg5[%get3A_556, %get3A_557] {strides = array<i32>} : memref<104x128xi32, #tpu.memory_space<vmem>>, vector<1x16xi32>,
      %get3A_559 = vector.shape_cast %get3A_558 : vector<1x16xi32> to vector<16xi32>
      %mul3A_560 = arith.constant 100000 : i32
      %mul3A_561 = vector.broadcast %mul3A_560 : i32 to vector<16xi32>
      %mul3A_562 = arith.muli %rem3A_555, %mul3A_561 : vector<16xi32>
      %add3A_563 = arith.addi %get3A_559, %mul3A_562 : vector<16xi32>
      %swap3A_564 = arith.constant 2 : i32
      %swap3A_565 = arith.index_cast %swap3A_564 : i32 to index
      %swap3A_566 = arith.constant 112 : index
      %swap3A_567 = tpu.vector_load %arg6[%swap3A_565, %swap3A_566] {strides = array<i32>} : memref<8x128xi32, #tpu.memory_space<vmem>>, vector<1x16xi32>,
      %swap3A_568 = vector.shape_cast %swap3A_567 : vector<1x16xi32> to vector<16xi32>
      %swap3A_569 = vector.shape_cast %add3A_563 : vector<16xi32> to vector<1x16xi32>
      tpu.vector_store %arg6[%swap3A_565, %swap3A_566], %swap3A_569 {strides = array<i32>} : memref<8x128xi32, #tpu.memory_space<vmem>>, vector<1x16xi32>,
      %mul3A_570 = arith.constant 8 : i32
      %mul3A_571 = arith.muli %scan3A_8, %mul3A_570 : i32
      %add3A_572 = arith.constant 3 : i32
      %add3A_573 = arith.addi %mul3A_571, %add3A_572 : i32
      %mul3A_574 = arith.constant 128 : i32
      %mul3A_575 = arith.muli %add3A_573, %mul3A_574 : i32
      %add3A_576 = arith.constant 0 : i32
      %add3A_577 = arith.addi %mul3A_575, %add3A_576 : i32
      %add3A_578 = vector.broadcast %add3A_577 : i32 to vector<16xi32>
      %add3A_579 = arith.addi %add3A_578, %iota3A : vector<16xi32>
      %rem3A_580 = arith.constant 26 : i32
      %rem3A_581 = vector.broadcast %rem3A_580 : i32 to vector<16xi32>
      %rem3A_582 = arith.remsi %add3A_579, %rem3A_581 : vector<16xi32>
      %get3A_583 = arith.index_cast %add3A_573 : i32 to index
      %get3A_584 = arith.constant 0 : index
      %get3A_585 = tpu.vector_load %arg5[%get3A_583, %get3A_584] {strides = array<i32>} : memref<104x128xi32, #tpu.memory_space<vmem>>, vector<1x16xi32>,
      %get3A_586 = vector.shape_cast %get3A_585 : vector<1x16xi32> to vector<16xi32>
      %mul3A_587 = arith.constant 100000 : i32
      %mul3A_588 = vector.broadcast %mul3A_587 : i32 to vector<16xi32>
      %mul3A_589 = arith.muli %rem3A_582, %mul3A_588 : vector<16xi32>
      %add3A_590 = arith.addi %get3A_586, %mul3A_589 : vector<16xi32>
      %swap3A_591 = arith.constant 3 : i32
      %swap3A_592 = arith.index_cast %swap3A_591 : i32 to index
      %swap3A_593 = arith.constant 0 : index
      %swap3A_594 = tpu.vector_load %arg6[%swap3A_592, %swap3A_593] {strides = array<i32>} : memref<8x128xi32, #tpu.memory_space<vmem>>, vector<1x16xi32>,
      %swap3A_595 = vector.shape_cast %swap3A_594 : vector<1x16xi32> to vector<16xi32>
      %swap3A_596 = vector.shape_cast %add3A_590 : vector<16xi32> to vector<1x16xi32>
      tpu.vector_store %arg6[%swap3A_592, %swap3A_593], %swap3A_596 {strides = array<i32>} : memref<8x128xi32, #tpu.memory_space<vmem>>, vector<1x16xi32>,
      %mul3A_597 = arith.constant 128 : i32
      %mul3A_598 = arith.muli %add3A_573, %mul3A_597 : i32
      %add3A_599 = arith.constant 16 : i32
      %add3A_600 = arith.addi %mul3A_598, %add3A_599 : i32
      %add3A_601 = vector.broadcast %add3A_600 : i32 to vector<16xi32>
      %add3A_602 = arith.addi %add3A_601, %iota3A : vector<16xi32>
      %rem3A_603 = arith.constant 26 : i32
      %rem3A_604 = vector.broadcast %rem3A_603 : i32 to vector<16xi32>
      %rem3A_605 = arith.remsi %add3A_602, %rem3A_604 : vector<16xi32>
      %get3A_606 = arith.index_cast %add3A_573 : i32 to index
      %get3A_607 = arith.constant 16 : index
      %get3A_608 = tpu.vector_load %arg5[%get3A_606, %get3A_607] {strides = array<i32>} : memref<104x128xi32, #tpu.memory_space<vmem>>, vector<1x16xi32>,
      %get3A_609 = vector.shape_cast %get3A_608 : vector<1x16xi32> to vector<16xi32>
      %mul3A_610 = arith.constant 100000 : i32
      %mul3A_611 = vector.broadcast %mul3A_610 : i32 to vector<16xi32>
      %mul3A_612 = arith.muli %rem3A_605, %mul3A_611 : vector<16xi32>
      %add3A_613 = arith.addi %get3A_609, %mul3A_612 : vector<16xi32>
      %swap3A_614 = arith.constant 3 : i32
      %swap3A_615 = arith.index_cast %swap3A_614 : i32 to index
      %swap3A_616 = arith.constant 16 : index
      %swap3A_617 = tpu.vector_load %arg6[%swap3A_615, %swap3A_616] {strides = array<i32>} : memref<8x128xi32, #tpu.memory_space<vmem>>, vector<1x16xi32>,
      %swap3A_618 = vector.shape_cast %swap3A_617 : vector<1x16xi32> to vector<16xi32>
      %swap3A_619 = vector.shape_cast %add3A_613 : vector<16xi32> to vector<1x16xi32>
      tpu.vector_store %arg6[%swap3A_615, %swap3A_616], %swap3A_619 {strides = array<i32>} : memref<8x128xi32, #tpu.memory_space<vmem>>, vector<1x16xi32>,
      %mul3A_620 = arith.constant 128 : i32
      %mul3A_621 = arith.muli %add3A_573, %mul3A_620 : i32
      %add3A_622 = arith.constant 32 : i32
      %add3A_623 = arith.addi %mul3A_621, %add3A_622 : i32
      %add3A_624 = vector.broadcast %add3A_623 : i32 to vector<16xi32>
      %add3A_625 = arith.addi %add3A_624, %iota3A : vector<16xi32>
      %rem3A_626 = arith.constant 26 : i32
      %rem3A_627 = vector.broadcast %rem3A_626 : i32 to vector<16xi32>
      %rem3A_628 = arith.remsi %add3A_625, %rem3A_627 : vector<16xi32>
      %get3A_629 = arith.index_cast %add3A_573 : i32 to index
      %get3A_630 = arith.constant 32 : index
      %get3A_631 = tpu.vector_load %arg5[%get3A_629, %get3A_630] {strides = array<i32>} : memref<104x128xi32, #tpu.memory_space<vmem>>, vector<1x16xi32>,
      %get3A_632 = vector.shape_cast %get3A_631 : vector<1x16xi32> to vector<16xi32>
      %mul3A_633 = arith.constant 100000 : i32
      %mul3A_634 = vector.broadcast %mul3A_633 : i32 to vector<16xi32>
      %mul3A_635 = arith.muli %rem3A_628, %mul3A_634 : vector<16xi32>
      %add3A_636 = arith.addi %get3A_632, %mul3A_635 : vector<16xi32>
      %swap3A_637 = arith.constant 3 : i32
      %swap3A_638 = arith.index_cast %swap3A_637 : i32 to index
      %swap3A_639 = arith.constant 32 : index
      %swap3A_640 = tpu.vector_load %arg6[%swap3A_638, %swap3A_639] {strides = array<i32>} : memref<8x128xi32, #tpu.memory_space<vmem>>, vector<1x16xi32>,
      %swap3A_641 = vector.shape_cast %swap3A_640 : vector<1x16xi32> to vector<16xi32>
      %swap3A_642 = vector.shape_cast %add3A_636 : vector<16xi32> to vector<1x16xi32>
      tpu.vector_store %arg6[%swap3A_638, %swap3A_639], %swap3A_642 {strides = array<i32>} : memref<8x128xi32, #tpu.memory_space<vmem>>, vector<1x16xi32>,
      %mul3A_643 = arith.constant 128 : i32
      %mul3A_644 = arith.muli %add3A_573, %mul3A_643 : i32
      %add3A_645 = arith.constant 48 : i32
      %add3A_646 = arith.addi %mul3A_644, %add3A_645 : i32
      %add3A_647 = vector.broadcast %add3A_646 : i32 to vector<16xi32>
      %add3A_648 = arith.addi %add3A_647, %iota3A : vector<16xi32>
      %rem3A_649 = arith.constant 26 : i32
      %rem3A_650 = vector.broadcast %rem3A_649 : i32 to vector<16xi32>
      %rem3A_651 = arith.remsi %add3A_648, %rem3A_650 : vector<16xi32>
      %get3A_652 = arith.index_cast %add3A_573 : i32 to index
      %get3A_653 = arith.constant 48 : index
      %get3A_654 = tpu.vector_load %arg5[%get3A_652, %get3A_653] {strides = array<i32>} : memref<104x128xi32, #tpu.memory_space<vmem>>, vector<1x16xi32>,
      %get3A_655 = vector.shape_cast %get3A_654 : vector<1x16xi32> to vector<16xi32>
      %mul3A_656 = arith.constant 100000 : i32
      %mul3A_657 = vector.broadcast %mul3A_656 : i32 to vector<16xi32>
      %mul3A_658 = arith.muli %rem3A_651, %mul3A_657 : vector<16xi32>
      %add3A_659 = arith.addi %get3A_655, %mul3A_658 : vector<16xi32>
      %swap3A_660 = arith.constant 3 : i32
      %swap3A_661 = arith.index_cast %swap3A_660 : i32 to index
      %swap3A_662 = arith.constant 48 : index
      %swap3A_663 = tpu.vector_load %arg6[%swap3A_661, %swap3A_662] {strides = array<i32>} : memref<8x128xi32, #tpu.memory_space<vmem>>, vector<1x16xi32>,
      %swap3A_664 = vector.shape_cast %swap3A_663 : vector<1x16xi32> to vector<16xi32>
      %swap3A_665 = vector.shape_cast %add3A_659 : vector<16xi32> to vector<1x16xi32>
      tpu.vector_store %arg6[%swap3A_661, %swap3A_662], %swap3A_665 {strides = array<i32>} : memref<8x128xi32, #tpu.memory_space<vmem>>, vector<1x16xi32>,
      %mul3A_666 = arith.constant 128 : i32
      %mul3A_667 = arith.muli %add3A_573, %mul3A_666 : i32
      %add3A_668 = arith.constant 64 : i32
      %add3A_669 = arith.addi %mul3A_667, %add3A_668 : i32
      %add3A_670 = vector.broadcast %add3A_669 : i32 to vector<16xi32>
      %add3A_671 = arith.addi %add3A_670, %iota3A : vector<16xi32>
      %rem3A_672 = arith.constant 26 : i32
      %rem3A_673 = vector.broadcast %rem3A_672 : i32 to vector<16xi32>
      %rem3A_674 = arith.remsi %add3A_671, %rem3A_673 : vector<16xi32>
      %get3A_675 = arith.index_cast %add3A_573 : i32 to index
      %get3A_676 = arith.constant 64 : index
      %get3A_677 = tpu.vector_load %arg5[%get3A_675, %get3A_676] {strides = array<i32>} : memref<104x128xi32, #tpu.memory_space<vmem>>, vector<1x16xi32>,
      %get3A_678 = vector.shape_cast %get3A_677 : vector<1x16xi32> to vector<16xi32>
      %mul3A_679 = arith.constant 100000 : i32
      %mul3A_680 = vector.broadcast %mul3A_679 : i32 to vector<16xi32>
      %mul3A_681 = arith.muli %rem3A_674, %mul3A_680 : vector<16xi32>
      %add3A_682 = arith.addi %get3A_678, %mul3A_681 : vector<16xi32>
      %swap3A_683 = arith.constant 3 : i32
      %swap3A_684 = arith.index_cast %swap3A_683 : i32 to index
      %swap3A_685 = arith.constant 64 : index
      %swap3A_686 = tpu.vector_load %arg6[%swap3A_684, %swap3A_685] {strides = array<i32>} : memref<8x128xi32, #tpu.memory_space<vmem>>, vector<1x16xi32>,
      %swap3A_687 = vector.shape_cast %swap3A_686 : vector<1x16xi32> to vector<16xi32>
      %swap3A_688 = vector.shape_cast %add3A_682 : vector<16xi32> to vector<1x16xi32>
      tpu.vector_store %arg6[%swap3A_684, %swap3A_685], %swap3A_688 {strides = array<i32>} : memref<8x128xi32, #tpu.memory_space<vmem>>, vector<1x16xi32>,
      %mul3A_689 = arith.constant 128 : i32
      %mul3A_690 = arith.muli %add3A_573, %mul3A_689 : i32
      %add3A_691 = arith.constant 80 : i32
      %add3A_692 = arith.addi %mul3A_690, %add3A_691 : i32
      %add3A_693 = vector.broadcast %add3A_692 : i32 to vector<16xi32>
      %add3A_694 = arith.addi %add3A_693, %iota3A : vector<16xi32>
      %rem3A_695 = arith.constant 26 : i32
      %rem3A_696 = vector.broadcast %rem3A_695 : i32 to vector<16xi32>
      %rem3A_697 = arith.remsi %add3A_694, %rem3A_696 : vector<16xi32>
      %get3A_698 = arith.index_cast %add3A_573 : i32 to index
      %get3A_699 = arith.constant 80 : index
      %get3A_700 = tpu.vector_load %arg5[%get3A_698, %get3A_699] {strides = array<i32>} : memref<104x128xi32, #tpu.memory_space<vmem>>, vector<1x16xi32>,
      %get3A_701 = vector.shape_cast %get3A_700 : vector<1x16xi32> to vector<16xi32>
      %mul3A_702 = arith.constant 100000 : i32
      %mul3A_703 = vector.broadcast %mul3A_702 : i32 to vector<16xi32>
      %mul3A_704 = arith.muli %rem3A_697, %mul3A_703 : vector<16xi32>
      %add3A_705 = arith.addi %get3A_701, %mul3A_704 : vector<16xi32>
      %swap3A_706 = arith.constant 3 : i32
      %swap3A_707 = arith.index_cast %swap3A_706 : i32 to index
      %swap3A_708 = arith.constant 80 : index
      %swap3A_709 = tpu.vector_load %arg6[%swap3A_707, %swap3A_708] {strides = array<i32>} : memref<8x128xi32, #tpu.memory_space<vmem>>, vector<1x16xi32>,
      %swap3A_710 = vector.shape_cast %swap3A_709 : vector<1x16xi32> to vector<16xi32>
      %swap3A_711 = vector.shape_cast %add3A_705 : vector<16xi32> to vector<1x16xi32>
      tpu.vector_store %arg6[%swap3A_707, %swap3A_708], %swap3A_711 {strides = array<i32>} : memref<8x128xi32, #tpu.memory_space<vmem>>, vector<1x16xi32>,
      %mul3A_712 = arith.constant 128 : i32
      %mul3A_713 = arith.muli %add3A_573, %mul3A_712 : i32
      %add3A_714 = arith.constant 96 : i32
      %add3A_715 = arith.addi %mul3A_713, %add3A_714 : i32
      %add3A_716 = vector.broadcast %add3A_715 : i32 to vector<16xi32>
      %add3A_717 = arith.addi %add3A_716, %iota3A : vector<16xi32>
      %rem3A_718 = arith.constant 26 : i32
      %rem3A_719 = vector.broadcast %rem3A_718 : i32 to vector<16xi32>
      %rem3A_720 = arith.remsi %add3A_717, %rem3A_719 : vector<16xi32>
      %get3A_721 = arith.index_cast %add3A_573 : i32 to index
      %get3A_722 = arith.constant 96 : index
      %get3A_723 = tpu.vector_load %arg5[%get3A_721, %get3A_722] {strides = array<i32>} : memref<104x128xi32, #tpu.memory_space<vmem>>, vector<1x16xi32>,
      %get3A_724 = vector.shape_cast %get3A_723 : vector<1x16xi32> to vector<16xi32>
      %mul3A_725 = arith.constant 100000 : i32
      %mul3A_726 = vector.broadcast %mul3A_725 : i32 to vector<16xi32>
      %mul3A_727 = arith.muli %rem3A_720, %mul3A_726 : vector<16xi32>
      %add3A_728 = arith.addi %get3A_724, %mul3A_727 : vector<16xi32>
      %swap3A_729 = arith.constant 3 : i32
      %swap3A_730 = arith.index_cast %swap3A_729 : i32 to index
      %swap3A_731 = arith.constant 96 : index
      %swap3A_732 = tpu.vector_load %arg6[%swap3A_730, %swap3A_731] {strides = array<i32>} : memref<8x128xi32, #tpu.memory_space<vmem>>, vector<1x16xi32>,
      %swap3A_733 = vector.shape_cast %swap3A_732 : vector<1x16xi32> to vector<16xi32>
      %swap3A_734 = vector.shape_cast %add3A_728 : vector<16xi32> to vector<1x16xi32>
      tpu.vector_store %arg6[%swap3A_730, %swap3A_731], %swap3A_734 {strides = array<i32>} : memref<8x128xi32, #tpu.memory_space<vmem>>, vector<1x16xi32>,
      %mul3A_735 = arith.constant 128 : i32
      %mul3A_736 = arith.muli %add3A_573, %mul3A_735 : i32
      %add3A_737 = arith.constant 112 : i32
      %add3A_738 = arith.addi %mul3A_736, %add3A_737 : i32
      %add3A_739 = vector.broadcast %add3A_738 : i32 to vector<16xi32>
      %add3A_740 = arith.addi %add3A_739, %iota3A : vector<16xi32>
      %rem3A_741 = arith.constant 26 : i32
      %rem3A_742 = vector.broadcast %rem3A_741 : i32 to vector<16xi32>
      %rem3A_743 = arith.remsi %add3A_740, %rem3A_742 : vector<16xi32>
      %get3A_744 = arith.index_cast %add3A_573 : i32 to index
      %get3A_745 = arith.constant 112 : index
      %get3A_746 = tpu.vector_load %arg5[%get3A_744, %get3A_745] {strides = array<i32>} : memref<104x128xi32, #tpu.memory_space<vmem>>, vector<1x16xi32>,
      %get3A_747 = vector.shape_cast %get3A_746 : vector<1x16xi32> to vector<16xi32>
      %mul3A_748 = arith.constant 100000 : i32
      %mul3A_749 = vector.broadcast %mul3A_748 : i32 to vector<16xi32>
      %mul3A_750 = arith.muli %rem3A_743, %mul3A_749 : vector<16xi32>
      %add3A_751 = arith.addi %get3A_747, %mul3A_750 : vector<16xi32>
      %swap3A_752 = arith.constant 3 : i32
      %swap3A_753 = arith.index_cast %swap3A_752 : i32 to index
      %swap3A_754 = arith.constant 112 : index
      %swap3A_755 = tpu.vector_load %arg6[%swap3A_753, %swap3A_754] {strides = array<i32>} : memref<8x128xi32, #tpu.memory_space<vmem>>, vector<1x16xi32>,
      %swap3A_756 = vector.shape_cast %swap3A_755 : vector<1x16xi32> to vector<16xi32>
      %swap3A_757 = vector.shape_cast %add3A_751 : vector<16xi32> to vector<1x16xi32>
      tpu.vector_store %arg6[%swap3A_753, %swap3A_754], %swap3A_757 {strides = array<i32>} : memref<8x128xi32, #tpu.memory_space<vmem>>, vector<1x16xi32>,
      %mul3A_758 = arith.constant 8 : i32
      %mul3A_759 = arith.muli %scan3A_8, %mul3A_758 : i32
      %add3A_760 = arith.constant 4 : i32
      %add3A_761 = arith.addi %mul3A_759, %add3A_760 : i32
      %mul3A_762 = arith.constant 128 : i32
      %mul3A_763 = arith.muli %add3A_761, %mul3A_762 : i32
      %add3A_764 = arith.constant 0 : i32
      %add3A_765 = arith.addi %mul3A_763, %add3A_764 : i32
      %add3A_766 = vector.broadcast %add3A_765 : i32 to vector<16xi32>
      %add3A_767 = arith.addi %add3A_766, %iota3A : vector<16xi32>
      %rem3A_768 = arith.constant 26 : i32
      %rem3A_769 = vector.broadcast %rem3A_768 : i32 to vector<16xi32>
      %rem3A_770 = arith.remsi %add3A_767, %rem3A_769 : vector<16xi32>
      %get3A_771 = arith.index_cast %add3A_761 : i32 to index
      %get3A_772 = arith.constant 0 : index
      %get3A_773 = tpu.vector_load %arg5[%get3A_771, %get3A_772] {strides = array<i32>} : memref<104x128xi32, #tpu.memory_space<vmem>>, vector<1x16xi32>,
      %get3A_774 = vector.shape_cast %get3A_773 : vector<1x16xi32> to vector<16xi32>
      %mul3A_775 = arith.constant 100000 : i32
      %mul3A_776 = vector.broadcast %mul3A_775 : i32 to vector<16xi32>
      %mul3A_777 = arith.muli %rem3A_770, %mul3A_776 : vector<16xi32>
      %add3A_778 = arith.addi %get3A_774, %mul3A_777 : vector<16xi32>
      %swap3A_779 = arith.constant 4 : i32
      %swap3A_780 = arith.index_cast %swap3A_779 : i32 to index
      %swap3A_781 = arith.constant 0 : index
      %swap3A_782 = tpu.vector_load %arg6[%swap3A_780, %swap3A_781] {strides = array<i32>} : memref<8x128xi32, #tpu.memory_space<vmem>>, vector<1x16xi32>,
      %swap3A_783 = vector.shape_cast %swap3A_782 : vector<1x16xi32> to vector<16xi32>
      %swap3A_784 = vector.shape_cast %add3A_778 : vector<16xi32> to vector<1x16xi32>
      tpu.vector_store %arg6[%swap3A_780, %swap3A_781], %swap3A_784 {strides = array<i32>} : memref<8x128xi32, #tpu.memory_space<vmem>>, vector<1x16xi32>,
      %mul3A_785 = arith.constant 128 : i32
      %mul3A_786 = arith.muli %add3A_761, %mul3A_785 : i32
      %add3A_787 = arith.constant 16 : i32
      %add3A_788 = arith.addi %mul3A_786, %add3A_787 : i32
      %add3A_789 = vector.broadcast %add3A_788 : i32 to vector<16xi32>
      %add3A_790 = arith.addi %add3A_789, %iota3A : vector<16xi32>
      %rem3A_791 = arith.constant 26 : i32
      %rem3A_792 = vector.broadcast %rem3A_791 : i32 to vector<16xi32>
      %rem3A_793 = arith.remsi %add3A_790, %rem3A_792 : vector<16xi32>
      %get3A_794 = arith.index_cast %add3A_761 : i32 to index
      %get3A_795 = arith.constant 16 : index
      %get3A_796 = tpu.vector_load %arg5[%get3A_794, %get3A_795] {strides = array<i32>} : memref<104x128xi32, #tpu.memory_space<vmem>>, vector<1x16xi32>,
      %get3A_797 = vector.shape_cast %get3A_796 : vector<1x16xi32> to vector<16xi32>
      %mul3A_798 = arith.constant 100000 : i32
      %mul3A_799 = vector.broadcast %mul3A_798 : i32 to vector<16xi32>
      %mul3A_800 = arith.muli %rem3A_793, %mul3A_799 : vector<16xi32>
      %add3A_801 = arith.addi %get3A_797, %mul3A_800 : vector<16xi32>
      %swap3A_802 = arith.constant 4 : i32
      %swap3A_803 = arith.index_cast %swap3A_802 : i32 to index
      %swap3A_804 = arith.constant 16 : index
      %swap3A_805 = tpu.vector_load %arg6[%swap3A_803, %swap3A_804] {strides = array<i32>} : memref<8x128xi32, #tpu.memory_space<vmem>>, vector<1x16xi32>,
      %swap3A_806 = vector.shape_cast %swap3A_805 : vector<1x16xi32> to vector<16xi32>
      %swap3A_807 = vector.shape_cast %add3A_801 : vector<16xi32> to vector<1x16xi32>
      tpu.vector_store %arg6[%swap3A_803, %swap3A_804], %swap3A_807 {strides = array<i32>} : memref<8x128xi32, #tpu.memory_space<vmem>>, vector<1x16xi32>,
      %mul3A_808 = arith.constant 128 : i32
      %mul3A_809 = arith.muli %add3A_761, %mul3A_808 : i32
      %add3A_810 = arith.constant 32 : i32
      %add3A_811 = arith.addi %mul3A_809, %add3A_810 : i32
      %add3A_812 = vector.broadcast %add3A_811 : i32 to vector<16xi32>
      %add3A_813 = arith.addi %add3A_812, %iota3A : vector<16xi32>
      %rem3A_814 = arith.constant 26 : i32
      %rem3A_815 = vector.broadcast %rem3A_814 : i32 to vector<16xi32>
      %rem3A_816 = arith.remsi %add3A_813, %rem3A_815 : vector<16xi32>
      %get3A_817 = arith.index_cast %add3A_761 : i32 to index
      %get3A_818 = arith.constant 32 : index
      %get3A_819 = tpu.vector_load %arg5[%get3A_817, %get3A_818] {strides = array<i32>} : memref<104x128xi32, #tpu.memory_space<vmem>>, vector<1x16xi32>,
      %get3A_820 = vector.shape_cast %get3A_819 : vector<1x16xi32> to vector<16xi32>
      %mul3A_821 = arith.constant 100000 : i32
      %mul3A_822 = vector.broadcast %mul3A_821 : i32 to vector<16xi32>
      %mul3A_823 = arith.muli %rem3A_816, %mul3A_822 : vector<16xi32>
      %add3A_824 = arith.addi %get3A_820, %mul3A_823 : vector<16xi32>
      %swap3A_825 = arith.constant 4 : i32
      %swap3A_826 = arith.index_cast %swap3A_825 : i32 to index
      %swap3A_827 = arith.constant 32 : index
      %swap3A_828 = tpu.vector_load %arg6[%swap3A_826, %swap3A_827] {strides = array<i32>} : memref<8x128xi32, #tpu.memory_space<vmem>>, vector<1x16xi32>,
      %swap3A_829 = vector.shape_cast %swap3A_828 : vector<1x16xi32> to vector<16xi32>
      %swap3A_830 = vector.shape_cast %add3A_824 : vector<16xi32> to vector<1x16xi32>
      tpu.vector_store %arg6[%swap3A_826, %swap3A_827], %swap3A_830 {strides = array<i32>} : memref<8x128xi32, #tpu.memory_space<vmem>>, vector<1x16xi32>,
      %mul3A_831 = arith.constant 128 : i32
      %mul3A_832 = arith.muli %add3A_761, %mul3A_831 : i32
      %add3A_833 = arith.constant 48 : i32
      %add3A_834 = arith.addi %mul3A_832, %add3A_833 : i32
      %add3A_835 = vector.broadcast %add3A_834 : i32 to vector<16xi32>
      %add3A_836 = arith.addi %add3A_835, %iota3A : vector<16xi32>
      %rem3A_837 = arith.constant 26 : i32
      %rem3A_838 = vector.broadcast %rem3A_837 : i32 to vector<16xi32>
      %rem3A_839 = arith.remsi %add3A_836, %rem3A_838 : vector<16xi32>
      %get3A_840 = arith.index_cast %add3A_761 : i32 to index
      %get3A_841 = arith.constant 48 : index
      %get3A_842 = tpu.vector_load %arg5[%get3A_840, %get3A_841] {strides = array<i32>} : memref<104x128xi32, #tpu.memory_space<vmem>>, vector<1x16xi32>,
      %get3A_843 = vector.shape_cast %get3A_842 : vector<1x16xi32> to vector<16xi32>
      %mul3A_844 = arith.constant 100000 : i32
      %mul3A_845 = vector.broadcast %mul3A_844 : i32 to vector<16xi32>
      %mul3A_846 = arith.muli %rem3A_839, %mul3A_845 : vector<16xi32>
      %add3A_847 = arith.addi %get3A_843, %mul3A_846 : vector<16xi32>
      %swap3A_848 = arith.constant 4 : i32
      %swap3A_849 = arith.index_cast %swap3A_848 : i32 to index
      %swap3A_850 = arith.constant 48 : index
      %swap3A_851 = tpu.vector_load %arg6[%swap3A_849, %swap3A_850] {strides = array<i32>} : memref<8x128xi32, #tpu.memory_space<vmem>>, vector<1x16xi32>,
      %swap3A_852 = vector.shape_cast %swap3A_851 : vector<1x16xi32> to vector<16xi32>
      %swap3A_853 = vector.shape_cast %add3A_847 : vector<16xi32> to vector<1x16xi32>
      tpu.vector_store %arg6[%swap3A_849, %swap3A_850], %swap3A_853 {strides = array<i32>} : memref<8x128xi32, #tpu.memory_space<vmem>>, vector<1x16xi32>,
      %mul3A_854 = arith.constant 128 : i32
      %mul3A_855 = arith.muli %add3A_761, %mul3A_854 : i32
      %add3A_856 = arith.constant 64 : i32
      %add3A_857 = arith.addi %mul3A_855, %add3A_856 : i32
      %add3A_858 = vector.broadcast %add3A_857 : i32 to vector<16xi32>
      %add3A_859 = arith.addi %add3A_858, %iota3A : vector<16xi32>
      %rem3A_860 = arith.constant 26 : i32
      %rem3A_861 = vector.broadcast %rem3A_860 : i32 to vector<16xi32>
      %rem3A_862 = arith.remsi %add3A_859, %rem3A_861 : vector<16xi32>
      %get3A_863 = arith.index_cast %add3A_761 : i32 to index
      %get3A_864 = arith.constant 64 : index
      %get3A_865 = tpu.vector_load %arg5[%get3A_863, %get3A_864] {strides = array<i32>} : memref<104x128xi32, #tpu.memory_space<vmem>>, vector<1x16xi32>,
      %get3A_866 = vector.shape_cast %get3A_865 : vector<1x16xi32> to vector<16xi32>
      %mul3A_867 = arith.constant 100000 : i32
      %mul3A_868 = vector.broadcast %mul3A_867 : i32 to vector<16xi32>
      %mul3A_869 = arith.muli %rem3A_862, %mul3A_868 : vector<16xi32>
      %add3A_870 = arith.addi %get3A_866, %mul3A_869 : vector<16xi32>
      %swap3A_871 = arith.constant 4 : i32
      %swap3A_872 = arith.index_cast %swap3A_871 : i32 to index
      %swap3A_873 = arith.constant 64 : index
      %swap3A_874 = tpu.vector_load %arg6[%swap3A_872, %swap3A_873] {strides = array<i32>} : memref<8x128xi32, #tpu.memory_space<vmem>>, vector<1x16xi32>,
      %swap3A_875 = vector.shape_cast %swap3A_874 : vector<1x16xi32> to vector<16xi32>
      %swap3A_876 = vector.shape_cast %add3A_870 : vector<16xi32> to vector<1x16xi32>
      tpu.vector_store %arg6[%swap3A_872, %swap3A_873], %swap3A_876 {strides = array<i32>} : memref<8x128xi32, #tpu.memory_space<vmem>>, vector<1x16xi32>,
      %mul3A_877 = arith.constant 128 : i32
      %mul3A_878 = arith.muli %add3A_761, %mul3A_877 : i32
      %add3A_879 = arith.constant 80 : i32
      %add3A_880 = arith.addi %mul3A_878, %add3A_879 : i32
      %add3A_881 = vector.broadcast %add3A_880 : i32 to vector<16xi32>
      %add3A_882 = arith.addi %add3A_881, %iota3A : vector<16xi32>
      %rem3A_883 = arith.constant 26 : i32
      %rem3A_884 = vector.broadcast %rem3A_883 : i32 to vector<16xi32>
      %rem3A_885 = arith.remsi %add3A_882, %rem3A_884 : vector<16xi32>
      %get3A_886 = arith.index_cast %add3A_761 : i32 to index
      %get3A_887 = arith.constant 80 : index
      %get3A_888 = tpu.vector_load %arg5[%get3A_886, %get3A_887] {strides = array<i32>} : memref<104x128xi32, #tpu.memory_space<vmem>>, vector<1x16xi32>,
      %get3A_889 = vector.shape_cast %get3A_888 : vector<1x16xi32> to vector<16xi32>
      %mul3A_890 = arith.constant 100000 : i32
      %mul3A_891 = vector.broadcast %mul3A_890 : i32 to vector<16xi32>
      %mul3A_892 = arith.muli %rem3A_885, %mul3A_891 : vector<16xi32>
      %add3A_893 = arith.addi %get3A_889, %mul3A_892 : vector<16xi32>
      %swap3A_894 = arith.constant 4 : i32
      %swap3A_895 = arith.index_cast %swap3A_894 : i32 to index
      %swap3A_896 = arith.constant 80 : index
      %swap3A_897 = tpu.vector_load %arg6[%swap3A_895, %swap3A_896] {strides = array<i32>} : memref<8x128xi32, #tpu.memory_space<vmem>>, vector<1x16xi32>,
      %swap3A_898 = vector.shape_cast %swap3A_897 : vector<1x16xi32> to vector<16xi32>
      %swap3A_899 = vector.shape_cast %add3A_893 : vector<16xi32> to vector<1x16xi32>
      tpu.vector_store %arg6[%swap3A_895, %swap3A_896], %swap3A_899 {strides = array<i32>} : memref<8x128xi32, #tpu.memory_space<vmem>>, vector<1x16xi32>,
      %mul3A_900 = arith.constant 128 : i32
      %mul3A_901 = arith.muli %add3A_761, %mul3A_900 : i32
      %add3A_902 = arith.constant 96 : i32
      %add3A_903 = arith.addi %mul3A_901, %add3A_902 : i32
      %add3A_904 = vector.broadcast %add3A_903 : i32 to vector<16xi32>
      %add3A_905 = arith.addi %add3A_904, %iota3A : vector<16xi32>
      %rem3A_906 = arith.constant 26 : i32
      %rem3A_907 = vector.broadcast %rem3A_906 : i32 to vector<16xi32>
      %rem3A_908 = arith.remsi %add3A_905, %rem3A_907 : vector<16xi32>
      %get3A_909 = arith.index_cast %add3A_761 : i32 to index
      %get3A_910 = arith.constant 96 : index
      %get3A_911 = tpu.vector_load %arg5[%get3A_909, %get3A_910] {strides = array<i32>} : memref<104x128xi32, #tpu.memory_space<vmem>>, vector<1x16xi32>,
      %get3A_912 = vector.shape_cast %get3A_911 : vector<1x16xi32> to vector<16xi32>
      %mul3A_913 = arith.constant 100000 : i32
      %mul3A_914 = vector.broadcast %mul3A_913 : i32 to vector<16xi32>
      %mul3A_915 = arith.muli %rem3A_908, %mul3A_914 : vector<16xi32>
      %add3A_916 = arith.addi %get3A_912, %mul3A_915 : vector<16xi32>
      %swap3A_917 = arith.constant 4 : i32
      %swap3A_918 = arith.index_cast %swap3A_917 : i32 to index
      %swap3A_919 = arith.constant 96 : index
      %swap3A_920 = tpu.vector_load %arg6[%swap3A_918, %swap3A_919] {strides = array<i32>} : memref<8x128xi32, #tpu.memory_space<vmem>>, vector<1x16xi32>,
      %swap3A_921 = vector.shape_cast %swap3A_920 : vector<1x16xi32> to vector<16xi32>
      %swap3A_922 = vector.shape_cast %add3A_916 : vector<16xi32> to vector<1x16xi32>
      tpu.vector_store %arg6[%swap3A_918, %swap3A_919], %swap3A_922 {strides = array<i32>} : memref<8x128xi32, #tpu.memory_space<vmem>>, vector<1x16xi32>,
      %mul3A_923 = arith.constant 128 : i32
      %mul3A_924 = arith.muli %add3A_761, %mul3A_923 : i32
      %add3A_925 = arith.constant 112 : i32
      %add3A_926 = arith.addi %mul3A_924, %add3A_925 : i32
      %add3A_927 = vector.broadcast %add3A_926 : i32 to vector<16xi32>
      %add3A_928 = arith.addi %add3A_927, %iota3A : vector<16xi32>
      %rem3A_929 = arith.constant 26 : i32
      %rem3A_930 = vector.broadcast %rem3A_929 : i32 to vector<16xi32>
      %rem3A_931 = arith.remsi %add3A_928, %rem3A_930 : vector<16xi32>
      %get3A_932 = arith.index_cast %add3A_761 : i32 to index
      %get3A_933 = arith.constant 112 : index
      %get3A_934 = tpu.vector_load %arg5[%get3A_932, %get3A_933] {strides = array<i32>} : memref<104x128xi32, #tpu.memory_space<vmem>>, vector<1x16xi32>,
      %get3A_935 = vector.shape_cast %get3A_934 : vector<1x16xi32> to vector<16xi32>
      %mul3A_936 = arith.constant 100000 : i32
      %mul3A_937 = vector.broadcast %mul3A_936 : i32 to vector<16xi32>
      %mul3A_938 = arith.muli %rem3A_931, %mul3A_937 : vector<16xi32>
      %add3A_939 = arith.addi %get3A_935, %mul3A_938 : vector<16xi32>
      %swap3A_940 = arith.constant 4 : i32
      %swap3A_941 = arith.index_cast %swap3A_940 : i32 to index
      %swap3A_942 = arith.constant 112 : index
      %swap3A_943 = tpu.vector_load %arg6[%swap3A_941, %swap3A_942] {strides = array<i32>} : memref<8x128xi32, #tpu.memory_space<vmem>>, vector<1x16xi32>,
      %swap3A_944 = vector.shape_cast %swap3A_943 : vector<1x16xi32> to vector<16xi32>
      %swap3A_945 = vector.shape_cast %add3A_939 : vector<16xi32> to vector<1x16xi32>
      tpu.vector_store %arg6[%swap3A_941, %swap3A_942], %swap3A_945 {strides = array<i32>} : memref<8x128xi32, #tpu.memory_space<vmem>>, vector<1x16xi32>,
      %mul3A_946 = arith.constant 8 : i32
      %mul3A_947 = arith.muli %scan3A_8, %mul3A_946 : i32
      %add3A_948 = arith.constant 5 : i32
      %add3A_949 = arith.addi %mul3A_947, %add3A_948 : i32
      %mul3A_950 = arith.constant 128 : i32
      %mul3A_951 = arith.muli %add3A_949, %mul3A_950 : i32
      %add3A_952 = arith.constant 0 : i32
      %add3A_953 = arith.addi %mul3A_951, %add3A_952 : i32
      %add3A_954 = vector.broadcast %add3A_953 : i32 to vector<16xi32>
      %add3A_955 = arith.addi %add3A_954, %iota3A : vector<16xi32>
      %rem3A_956 = arith.constant 26 : i32
      %rem3A_957 = vector.broadcast %rem3A_956 : i32 to vector<16xi32>
      %rem3A_958 = arith.remsi %add3A_955, %rem3A_957 : vector<16xi32>
      %get3A_959 = arith.index_cast %add3A_949 : i32 to index
      %get3A_960 = arith.constant 0 : index
      %get3A_961 = tpu.vector_load %arg5[%get3A_959, %get3A_960] {strides = array<i32>} : memref<104x128xi32, #tpu.memory_space<vmem>>, vector<1x16xi32>,
      %get3A_962 = vector.shape_cast %get3A_961 : vector<1x16xi32> to vector<16xi32>
      %mul3A_963 = arith.constant 100000 : i32
      %mul3A_964 = vector.broadcast %mul3A_963 : i32 to vector<16xi32>
      %mul3A_965 = arith.muli %rem3A_958, %mul3A_964 : vector<16xi32>
      %add3A_966 = arith.addi %get3A_962, %mul3A_965 : vector<16xi32>
      %swap3A_967 = arith.constant 5 : i32
      %swap3A_968 = arith.index_cast %swap3A_967 : i32 to index
      %swap3A_969 = arith.constant 0 : index
      %swap3A_970 = tpu.vector_load %arg6[%swap3A_968, %swap3A_969] {strides = array<i32>} : memref<8x128xi32, #tpu.memory_space<vmem>>, vector<1x16xi32>,
      %swap3A_971 = vector.shape_cast %swap3A_970 : vector<1x16xi32> to vector<16xi32>
      %swap3A_972 = vector.shape_cast %add3A_966 : vector<16xi32> to vector<1x16xi32>
      tpu.vector_store %arg6[%swap3A_968, %swap3A_969], %swap3A_972 {strides = array<i32>} : memref<8x128xi32, #tpu.memory_space<vmem>>, vector<1x16xi32>,
      %mul3A_973 = arith.constant 128 : i32
      %mul3A_974 = arith.muli %add3A_949, %mul3A_973 : i32
      %add3A_975 = arith.constant 16 : i32
      %add3A_976 = arith.addi %mul3A_974, %add3A_975 : i32
      %add3A_977 = vector.broadcast %add3A_976 : i32 to vector<16xi32>
      %add3A_978 = arith.addi %add3A_977, %iota3A : vector<16xi32>
      %rem3A_979 = arith.constant 26 : i32
      %rem3A_980 = vector.broadcast %rem3A_979 : i32 to vector<16xi32>
      %rem3A_981 = arith.remsi %add3A_978, %rem3A_980 : vector<16xi32>
      %get3A_982 = arith.index_cast %add3A_949 : i32 to index
      %get3A_983 = arith.constant 16 : index
      %get3A_984 = tpu.vector_load %arg5[%get3A_982, %get3A_983] {strides = array<i32>} : memref<104x128xi32, #tpu.memory_space<vmem>>, vector<1x16xi32>,
      %get3A_985 = vector.shape_cast %get3A_984 : vector<1x16xi32> to vector<16xi32>
      %mul3A_986 = arith.constant 100000 : i32
      %mul3A_987 = vector.broadcast %mul3A_986 : i32 to vector<16xi32>
      %mul3A_988 = arith.muli %rem3A_981, %mul3A_987 : vector<16xi32>
      %add3A_989 = arith.addi %get3A_985, %mul3A_988 : vector<16xi32>
      %swap3A_990 = arith.constant 5 : i32
      %swap3A_991 = arith.index_cast %swap3A_990 : i32 to index
      %swap3A_992 = arith.constant 16 : index
      %swap3A_993 = tpu.vector_load %arg6[%swap3A_991, %swap3A_992] {strides = array<i32>} : memref<8x128xi32, #tpu.memory_space<vmem>>, vector<1x16xi32>,
      %swap3A_994 = vector.shape_cast %swap3A_993 : vector<1x16xi32> to vector<16xi32>
      %swap3A_995 = vector.shape_cast %add3A_989 : vector<16xi32> to vector<1x16xi32>
      tpu.vector_store %arg6[%swap3A_991, %swap3A_992], %swap3A_995 {strides = array<i32>} : memref<8x128xi32, #tpu.memory_space<vmem>>, vector<1x16xi32>,
      %mul3A_996 = arith.constant 128 : i32
      %mul3A_997 = arith.muli %add3A_949, %mul3A_996 : i32
      %add3A_998 = arith.constant 32 : i32
      %add3A_999 = arith.addi %mul3A_997, %add3A_998 : i32
      %add3A_1000 = vector.broadcast %add3A_999 : i32 to vector<16xi32>
      %add3A_1001 = arith.addi %add3A_1000, %iota3A : vector<16xi32>
      %rem3A_1002 = arith.constant 26 : i32
      %rem3A_1003 = vector.broadcast %rem3A_1002 : i32 to vector<16xi32>
      %rem3A_1004 = arith.remsi %add3A_1001, %rem3A_1003 : vector<16xi32>
      %get3A_1005 = arith.index_cast %add3A_949 : i32 to index
      %get3A_1006 = arith.constant 32 : index
      %get3A_1007 = tpu.vector_load %arg5[%get3A_1005, %get3A_1006] {strides = array<i32>} : memref<104x128xi32, #tpu.memory_space<vmem>>, vector<1x16xi32>,
      %get3A_1008 = vector.shape_cast %get3A_1007 : vector<1x16xi32> to vector<16xi32>
      %mul3A_1009 = arith.constant 100000 : i32
      %mul3A_1010 = vector.broadcast %mul3A_1009 : i32 to vector<16xi32>
      %mul3A_1011 = arith.muli %rem3A_1004, %mul3A_1010 : vector<16xi32>
      %add3A_1012 = arith.addi %get3A_1008, %mul3A_1011 : vector<16xi32>
      %swap3A_1013 = arith.constant 5 : i32
      %swap3A_1014 = arith.index_cast %swap3A_1013 : i32 to index
      %swap3A_1015 = arith.constant 32 : index
      %swap3A_1016 = tpu.vector_load %arg6[%swap3A_1014, %swap3A_1015] {strides = array<i32>} : memref<8x128xi32, #tpu.memory_space<vmem>>, vector<1x16xi32>,
      %swap3A_1017 = vector.shape_cast %swap3A_1016 : vector<1x16xi32> to vector<16xi32>
      %swap3A_1018 = vector.shape_cast %add3A_1012 : vector<16xi32> to vector<1x16xi32>
      tpu.vector_store %arg6[%swap3A_1014, %swap3A_1015], %swap3A_1018 {strides = array<i32>} : memref<8x128xi32, #tpu.memory_space<vmem>>, vector<1x16xi32>,
      %mul3A_1019 = arith.constant 128 : i32
      %mul3A_1020 = arith.muli %add3A_949, %mul3A_1019 : i32
      %add3A_1021 = arith.constant 48 : i32
      %add3A_1022 = arith.addi %mul3A_1020, %add3A_1021 : i32
      %add3A_1023 = vector.broadcast %add3A_1022 : i32 to vector<16xi32>
      %add3A_1024 = arith.addi %add3A_1023, %iota3A : vector<16xi32>
      %rem3A_1025 = arith.constant 26 : i32
      %rem3A_1026 = vector.broadcast %rem3A_1025 : i32 to vector<16xi32>
      %rem3A_1027 = arith.remsi %add3A_1024, %rem3A_1026 : vector<16xi32>
      %get3A_1028 = arith.index_cast %add3A_949 : i32 to index
      %get3A_1029 = arith.constant 48 : index
      %get3A_1030 = tpu.vector_load %arg5[%get3A_1028, %get3A_1029] {strides = array<i32>} : memref<104x128xi32, #tpu.memory_space<vmem>>, vector<1x16xi32>,
      %get3A_1031 = vector.shape_cast %get3A_1030 : vector<1x16xi32> to vector<16xi32>
      %mul3A_1032 = arith.constant 100000 : i32
      %mul3A_1033 = vector.broadcast %mul3A_1032 : i32 to vector<16xi32>
      %mul3A_1034 = arith.muli %rem3A_1027, %mul3A_1033 : vector<16xi32>
      %add3A_1035 = arith.addi %get3A_1031, %mul3A_1034 : vector<16xi32>
      %swap3A_1036 = arith.constant 5 : i32
      %swap3A_1037 = arith.index_cast %swap3A_1036 : i32 to index
      %swap3A_1038 = arith.constant 48 : index
      %swap3A_1039 = tpu.vector_load %arg6[%swap3A_1037, %swap3A_1038] {strides = array<i32>} : memref<8x128xi32, #tpu.memory_space<vmem>>, vector<1x16xi32>,
      %swap3A_1040 = vector.shape_cast %swap3A_1039 : vector<1x16xi32> to vector<16xi32>
      %swap3A_1041 = vector.shape_cast %add3A_1035 : vector<16xi32> to vector<1x16xi32>
      tpu.vector_store %arg6[%swap3A_1037, %swap3A_1038], %swap3A_1041 {strides = array<i32>} : memref<8x128xi32, #tpu.memory_space<vmem>>, vector<1x16xi32>,
      %mul3A_1042 = arith.constant 128 : i32
      %mul3A_1043 = arith.muli %add3A_949, %mul3A_1042 : i32
      %add3A_1044 = arith.constant 64 : i32
      %add3A_1045 = arith.addi %mul3A_1043, %add3A_1044 : i32
      %add3A_1046 = vector.broadcast %add3A_1045 : i32 to vector<16xi32>
      %add3A_1047 = arith.addi %add3A_1046, %iota3A : vector<16xi32>
      %rem3A_1048 = arith.constant 26 : i32
      %rem3A_1049 = vector.broadcast %rem3A_1048 : i32 to vector<16xi32>
      %rem3A_1050 = arith.remsi %add3A_1047, %rem3A_1049 : vector<16xi32>
      %get3A_1051 = arith.index_cast %add3A_949 : i32 to index
      %get3A_1052 = arith.constant 64 : index
      %get3A_1053 = tpu.vector_load %arg5[%get3A_1051, %get3A_1052] {strides = array<i32>} : memref<104x128xi32, #tpu.memory_space<vmem>>, vector<1x16xi32>,
      %get3A_1054 = vector.shape_cast %get3A_1053 : vector<1x16xi32> to vector<16xi32>
      %mul3A_1055 = arith.constant 100000 : i32
      %mul3A_1056 = vector.broadcast %mul3A_1055 : i32 to vector<16xi32>
      %mul3A_1057 = arith.muli %rem3A_1050, %mul3A_1056 : vector<16xi32>
      %add3A_1058 = arith.addi %get3A_1054, %mul3A_1057 : vector<16xi32>
      %swap3A_1059 = arith.constant 5 : i32
      %swap3A_1060 = arith.index_cast %swap3A_1059 : i32 to index
      %swap3A_1061 = arith.constant 64 : index
      %swap3A_1062 = tpu.vector_load %arg6[%swap3A_1060, %swap3A_1061] {strides = array<i32>} : memref<8x128xi32, #tpu.memory_space<vmem>>, vector<1x16xi32>,
      %swap3A_1063 = vector.shape_cast %swap3A_1062 : vector<1x16xi32> to vector<16xi32>
      %swap3A_1064 = vector.shape_cast %add3A_1058 : vector<16xi32> to vector<1x16xi32>
      tpu.vector_store %arg6[%swap3A_1060, %swap3A_1061], %swap3A_1064 {strides = array<i32>} : memref<8x128xi32, #tpu.memory_space<vmem>>, vector<1x16xi32>,
      %mul3A_1065 = arith.constant 128 : i32
      %mul3A_1066 = arith.muli %add3A_949, %mul3A_1065 : i32
      %add3A_1067 = arith.constant 80 : i32
      %add3A_1068 = arith.addi %mul3A_1066, %add3A_1067 : i32
      %add3A_1069 = vector.broadcast %add3A_1068 : i32 to vector<16xi32>
      %add3A_1070 = arith.addi %add3A_1069, %iota3A : vector<16xi32>
      %rem3A_1071 = arith.constant 26 : i32
      %rem3A_1072 = vector.broadcast %rem3A_1071 : i32 to vector<16xi32>
      %rem3A_1073 = arith.remsi %add3A_1070, %rem3A_1072 : vector<16xi32>
      %get3A_1074 = arith.index_cast %add3A_949 : i32 to index
      %get3A_1075 = arith.constant 80 : index
      %get3A_1076 = tpu.vector_load %arg5[%get3A_1074, %get3A_1075] {strides = array<i32>} : memref<104x128xi32, #tpu.memory_space<vmem>>, vector<1x16xi32>,
      %get3A_1077 = vector.shape_cast %get3A_1076 : vector<1x16xi32> to vector<16xi32>
      %mul3A_1078 = arith.constant 100000 : i32
      %mul3A_1079 = vector.broadcast %mul3A_1078 : i32 to vector<16xi32>
      %mul3A_1080 = arith.muli %rem3A_1073, %mul3A_1079 : vector<16xi32>
      %add3A_1081 = arith.addi %get3A_1077, %mul3A_1080 : vector<16xi32>
      %swap3A_1082 = arith.constant 5 : i32
      %swap3A_1083 = arith.index_cast %swap3A_1082 : i32 to index
      %swap3A_1084 = arith.constant 80 : index
      %swap3A_1085 = tpu.vector_load %arg6[%swap3A_1083, %swap3A_1084] {strides = array<i32>} : memref<8x128xi32, #tpu.memory_space<vmem>>, vector<1x16xi32>,
      %swap3A_1086 = vector.shape_cast %swap3A_1085 : vector<1x16xi32> to vector<16xi32>
      %swap3A_1087 = vector.shape_cast %add3A_1081 : vector<16xi32> to vector<1x16xi32>
      tpu.vector_store %arg6[%swap3A_1083, %swap3A_1084], %swap3A_1087 {strides = array<i32>} : memref<8x128xi32, #tpu.memory_space<vmem>>, vector<1x16xi32>,
      %mul3A_1088 = arith.constant 128 : i32
      %mul3A_1089 = arith.muli %add3A_949, %mul3A_1088 : i32
      %add3A_1090 = arith.constant 96 : i32
      %add3A_1091 = arith.addi %mul3A_1089, %add3A_1090 : i32
      %add3A_1092 = vector.broadcast %add3A_1091 : i32 to vector<16xi32>
      %add3A_1093 = arith.addi %add3A_1092, %iota3A : vector<16xi32>
      %rem3A_1094 = arith.constant 26 : i32
      %rem3A_1095 = vector.broadcast %rem3A_1094 : i32 to vector<16xi32>
      %rem3A_1096 = arith.remsi %add3A_1093, %rem3A_1095 : vector<16xi32>
      %get3A_1097 = arith.index_cast %add3A_949 : i32 to index
      %get3A_1098 = arith.constant 96 : index
      %get3A_1099 = tpu.vector_load %arg5[%get3A_1097, %get3A_1098] {strides = array<i32>} : memref<104x128xi32, #tpu.memory_space<vmem>>, vector<1x16xi32>,
      %get3A_1100 = vector.shape_cast %get3A_1099 : vector<1x16xi32> to vector<16xi32>
      %mul3A_1101 = arith.constant 100000 : i32
      %mul3A_1102 = vector.broadcast %mul3A_1101 : i32 to vector<16xi32>
      %mul3A_1103 = arith.muli %rem3A_1096, %mul3A_1102 : vector<16xi32>
      %add3A_1104 = arith.addi %get3A_1100, %mul3A_1103 : vector<16xi32>
      %swap3A_1105 = arith.constant 5 : i32
      %swap3A_1106 = arith.index_cast %swap3A_1105 : i32 to index
      %swap3A_1107 = arith.constant 96 : index
      %swap3A_1108 = tpu.vector_load %arg6[%swap3A_1106, %swap3A_1107] {strides = array<i32>} : memref<8x128xi32, #tpu.memory_space<vmem>>, vector<1x16xi32>,
      %swap3A_1109 = vector.shape_cast %swap3A_1108 : vector<1x16xi32> to vector<16xi32>
      %swap3A_1110 = vector.shape_cast %add3A_1104 : vector<16xi32> to vector<1x16xi32>
      tpu.vector_store %arg6[%swap3A_1106, %swap3A_1107], %swap3A_1110 {strides = array<i32>} : memref<8x128xi32, #tpu.memory_space<vmem>>, vector<1x16xi32>,
      %mul3A_1111 = arith.constant 128 : i32
      %mul3A_1112 = arith.muli %add3A_949, %mul3A_1111 : i32
      %add3A_1113 = arith.constant 112 : i32
      %add3A_1114 = arith.addi %mul3A_1112, %add3A_1113 : i32
      %add3A_1115 = vector.broadcast %add3A_1114 : i32 to vector<16xi32>
      %add3A_1116 = arith.addi %add3A_1115, %iota3A : vector<16xi32>
      %rem3A_1117 = arith.constant 26 : i32
      %rem3A_1118 = vector.broadcast %rem3A_1117 : i32 to vector<16xi32>
      %rem3A_1119 = arith.remsi %add3A_1116, %rem3A_1118 : vector<16xi32>
      %get3A_1120 = arith.index_cast %add3A_949 : i32 to index
      %get3A_1121 = arith.constant 112 : index
      %get3A_1122 = tpu.vector_load %arg5[%get3A_1120, %get3A_1121] {strides = array<i32>} : memref<104x128xi32, #tpu.memory_space<vmem>>, vector<1x16xi32>,
      %get3A_1123 = vector.shape_cast %get3A_1122 : vector<1x16xi32> to vector<16xi32>
      %mul3A_1124 = arith.constant 100000 : i32
      %mul3A_1125 = vector.broadcast %mul3A_1124 : i32 to vector<16xi32>
      %mul3A_1126 = arith.muli %rem3A_1119, %mul3A_1125 : vector<16xi32>
      %add3A_1127 = arith.addi %get3A_1123, %mul3A_1126 : vector<16xi32>
      %swap3A_1128 = arith.constant 5 : i32
      %swap3A_1129 = arith.index_cast %swap3A_1128 : i32 to index
      %swap3A_1130 = arith.constant 112 : index
      %swap3A_1131 = tpu.vector_load %arg6[%swap3A_1129, %swap3A_1130] {strides = array<i32>} : memref<8x128xi32, #tpu.memory_space<vmem>>, vector<1x16xi32>,
      %swap3A_1132 = vector.shape_cast %swap3A_1131 : vector<1x16xi32> to vector<16xi32>
      %swap3A_1133 = vector.shape_cast %add3A_1127 : vector<16xi32> to vector<1x16xi32>
      tpu.vector_store %arg6[%swap3A_1129, %swap3A_1130], %swap3A_1133 {strides = array<i32>} : memref<8x128xi32, #tpu.memory_space<vmem>>, vector<1x16xi32>,
      %mul3A_1134 = arith.constant 8 : i32
      %mul3A_1135 = arith.muli %scan3A_8, %mul3A_1134 : i32
      %add3A_1136 = arith.constant 6 : i32
      %add3A_1137 = arith.addi %mul3A_1135, %add3A_1136 : i32
      %mul3A_1138 = arith.constant 128 : i32
      %mul3A_1139 = arith.muli %add3A_1137, %mul3A_1138 : i32
      %add3A_1140 = arith.constant 0 : i32
      %add3A_1141 = arith.addi %mul3A_1139, %add3A_1140 : i32
      %add3A_1142 = vector.broadcast %add3A_1141 : i32 to vector<16xi32>
      %add3A_1143 = arith.addi %add3A_1142, %iota3A : vector<16xi32>
      %rem3A_1144 = arith.constant 26 : i32
      %rem3A_1145 = vector.broadcast %rem3A_1144 : i32 to vector<16xi32>
      %rem3A_1146 = arith.remsi %add3A_1143, %rem3A_1145 : vector<16xi32>
      %get3A_1147 = arith.index_cast %add3A_1137 : i32 to index
      %get3A_1148 = arith.constant 0 : index
      %get3A_1149 = tpu.vector_load %arg5[%get3A_1147, %get3A_1148] {strides = array<i32>} : memref<104x128xi32, #tpu.memory_space<vmem>>, vector<1x16xi32>,
      %get3A_1150 = vector.shape_cast %get3A_1149 : vector<1x16xi32> to vector<16xi32>
      %mul3A_1151 = arith.constant 100000 : i32
      %mul3A_1152 = vector.broadcast %mul3A_1151 : i32 to vector<16xi32>
      %mul3A_1153 = arith.muli %rem3A_1146, %mul3A_1152 : vector<16xi32>
      %add3A_1154 = arith.addi %get3A_1150, %mul3A_1153 : vector<16xi32>
      %swap3A_1155 = arith.constant 6 : i32
      %swap3A_1156 = arith.index_cast %swap3A_1155 : i32 to index
      %swap3A_1157 = arith.constant 0 : index
      %swap3A_1158 = tpu.vector_load %arg6[%swap3A_1156, %swap3A_1157] {strides = array<i32>} : memref<8x128xi32, #tpu.memory_space<vmem>>, vector<1x16xi32>,
      %swap3A_1159 = vector.shape_cast %swap3A_1158 : vector<1x16xi32> to vector<16xi32>
      %swap3A_1160 = vector.shape_cast %add3A_1154 : vector<16xi32> to vector<1x16xi32>
      tpu.vector_store %arg6[%swap3A_1156, %swap3A_1157], %swap3A_1160 {strides = array<i32>} : memref<8x128xi32, #tpu.memory_space<vmem>>, vector<1x16xi32>,
      %mul3A_1161 = arith.constant 128 : i32
      %mul3A_1162 = arith.muli %add3A_1137, %mul3A_1161 : i32
      %add3A_1163 = arith.constant 16 : i32
      %add3A_1164 = arith.addi %mul3A_1162, %add3A_1163 : i32
      %add3A_1165 = vector.broadcast %add3A_1164 : i32 to vector<16xi32>
      %add3A_1166 = arith.addi %add3A_1165, %iota3A : vector<16xi32>
      %rem3A_1167 = arith.constant 26 : i32
      %rem3A_1168 = vector.broadcast %rem3A_1167 : i32 to vector<16xi32>
      %rem3A_1169 = arith.remsi %add3A_1166, %rem3A_1168 : vector<16xi32>
      %get3A_1170 = arith.index_cast %add3A_1137 : i32 to index
      %get3A_1171 = arith.constant 16 : index
      %get3A_1172 = tpu.vector_load %arg5[%get3A_1170, %get3A_1171] {strides = array<i32>} : memref<104x128xi32, #tpu.memory_space<vmem>>, vector<1x16xi32>,
      %get3A_1173 = vector.shape_cast %get3A_1172 : vector<1x16xi32> to vector<16xi32>
      %mul3A_1174 = arith.constant 100000 : i32
      %mul3A_1175 = vector.broadcast %mul3A_1174 : i32 to vector<16xi32>
      %mul3A_1176 = arith.muli %rem3A_1169, %mul3A_1175 : vector<16xi32>
      %add3A_1177 = arith.addi %get3A_1173, %mul3A_1176 : vector<16xi32>
      %swap3A_1178 = arith.constant 6 : i32
      %swap3A_1179 = arith.index_cast %swap3A_1178 : i32 to index
      %swap3A_1180 = arith.constant 16 : index
      %swap3A_1181 = tpu.vector_load %arg6[%swap3A_1179, %swap3A_1180] {strides = array<i32>} : memref<8x128xi32, #tpu.memory_space<vmem>>, vector<1x16xi32>,
      %swap3A_1182 = vector.shape_cast %swap3A_1181 : vector<1x16xi32> to vector<16xi32>
      %swap3A_1183 = vector.shape_cast %add3A_1177 : vector<16xi32> to vector<1x16xi32>
      tpu.vector_store %arg6[%swap3A_1179, %swap3A_1180], %swap3A_1183 {strides = array<i32>} : memref<8x128xi32, #tpu.memory_space<vmem>>, vector<1x16xi32>,
      %mul3A_1184 = arith.constant 128 : i32
      %mul3A_1185 = arith.muli %add3A_1137, %mul3A_1184 : i32
      %add3A_1186 = arith.constant 32 : i32
      %add3A_1187 = arith.addi %mul3A_1185, %add3A_1186 : i32
      %add3A_1188 = vector.broadcast %add3A_1187 : i32 to vector<16xi32>
      %add3A_1189 = arith.addi %add3A_1188, %iota3A : vector<16xi32>
      %rem3A_1190 = arith.constant 26 : i32
      %rem3A_1191 = vector.broadcast %rem3A_1190 : i32 to vector<16xi32>
      %rem3A_1192 = arith.remsi %add3A_1189, %rem3A_1191 : vector<16xi32>
      %get3A_1193 = arith.index_cast %add3A_1137 : i32 to index
      %get3A_1194 = arith.constant 32 : index
      %get3A_1195 = tpu.vector_load %arg5[%get3A_1193, %get3A_1194] {strides = array<i32>} : memref<104x128xi32, #tpu.memory_space<vmem>>, vector<1x16xi32>,
      %get3A_1196 = vector.shape_cast %get3A_1195 : vector<1x16xi32> to vector<16xi32>
      %mul3A_1197 = arith.constant 100000 : i32
      %mul3A_1198 = vector.broadcast %mul3A_1197 : i32 to vector<16xi32>
      %mul3A_1199 = arith.muli %rem3A_1192, %mul3A_1198 : vector<16xi32>
      %add3A_1200 = arith.addi %get3A_1196, %mul3A_1199 : vector<16xi32>
      %swap3A_1201 = arith.constant 6 : i32
      %swap3A_1202 = arith.index_cast %swap3A_1201 : i32 to index
      %swap3A_1203 = arith.constant 32 : index
      %swap3A_1204 = tpu.vector_load %arg6[%swap3A_1202, %swap3A_1203] {strides = array<i32>} : memref<8x128xi32, #tpu.memory_space<vmem>>, vector<1x16xi32>,
      %swap3A_1205 = vector.shape_cast %swap3A_1204 : vector<1x16xi32> to vector<16xi32>
      %swap3A_1206 = vector.shape_cast %add3A_1200 : vector<16xi32> to vector<1x16xi32>
      tpu.vector_store %arg6[%swap3A_1202, %swap3A_1203], %swap3A_1206 {strides = array<i32>} : memref<8x128xi32, #tpu.memory_space<vmem>>, vector<1x16xi32>,
      %mul3A_1207 = arith.constant 128 : i32
      %mul3A_1208 = arith.muli %add3A_1137, %mul3A_1207 : i32
      %add3A_1209 = arith.constant 48 : i32
      %add3A_1210 = arith.addi %mul3A_1208, %add3A_1209 : i32
      %add3A_1211 = vector.broadcast %add3A_1210 : i32 to vector<16xi32>
      %add3A_1212 = arith.addi %add3A_1211, %iota3A : vector<16xi32>
      %rem3A_1213 = arith.constant 26 : i32
      %rem3A_1214 = vector.broadcast %rem3A_1213 : i32 to vector<16xi32>
      %rem3A_1215 = arith.remsi %add3A_1212, %rem3A_1214 : vector<16xi32>
      %get3A_1216 = arith.index_cast %add3A_1137 : i32 to index
      %get3A_1217 = arith.constant 48 : index
      %get3A_1218 = tpu.vector_load %arg5[%get3A_1216, %get3A_1217] {strides = array<i32>} : memref<104x128xi32, #tpu.memory_space<vmem>>, vector<1x16xi32>,
      %get3A_1219 = vector.shape_cast %get3A_1218 : vector<1x16xi32> to vector<16xi32>
      %mul3A_1220 = arith.constant 100000 : i32
      %mul3A_1221 = vector.broadcast %mul3A_1220 : i32 to vector<16xi32>
      %mul3A_1222 = arith.muli %rem3A_1215, %mul3A_1221 : vector<16xi32>
      %add3A_1223 = arith.addi %get3A_1219, %mul3A_1222 : vector<16xi32>
      %swap3A_1224 = arith.constant 6 : i32
      %swap3A_1225 = arith.index_cast %swap3A_1224 : i32 to index
      %swap3A_1226 = arith.constant 48 : index
      %swap3A_1227 = tpu.vector_load %arg6[%swap3A_1225, %swap3A_1226] {strides = array<i32>} : memref<8x128xi32, #tpu.memory_space<vmem>>, vector<1x16xi32>,
      %swap3A_1228 = vector.shape_cast %swap3A_1227 : vector<1x16xi32> to vector<16xi32>
      %swap3A_1229 = vector.shape_cast %add3A_1223 : vector<16xi32> to vector<1x16xi32>
      tpu.vector_store %arg6[%swap3A_1225, %swap3A_1226], %swap3A_1229 {strides = array<i32>} : memref<8x128xi32, #tpu.memory_space<vmem>>, vector<1x16xi32>,
      %mul3A_1230 = arith.constant 128 : i32
      %mul3A_1231 = arith.muli %add3A_1137, %mul3A_1230 : i32
      %add3A_1232 = arith.constant 64 : i32
      %add3A_1233 = arith.addi %mul3A_1231, %add3A_1232 : i32
      %add3A_1234 = vector.broadcast %add3A_1233 : i32 to vector<16xi32>
      %add3A_1235 = arith.addi %add3A_1234, %iota3A : vector<16xi32>
      %rem3A_1236 = arith.constant 26 : i32
      %rem3A_1237 = vector.broadcast %rem3A_1236 : i32 to vector<16xi32>
      %rem3A_1238 = arith.remsi %add3A_1235, %rem3A_1237 : vector<16xi32>
      %get3A_1239 = arith.index_cast %add3A_1137 : i32 to index
      %get3A_1240 = arith.constant 64 : index
      %get3A_1241 = tpu.vector_load %arg5[%get3A_1239, %get3A_1240] {strides = array<i32>} : memref<104x128xi32, #tpu.memory_space<vmem>>, vector<1x16xi32>,
      %get3A_1242 = vector.shape_cast %get3A_1241 : vector<1x16xi32> to vector<16xi32>
      %mul3A_1243 = arith.constant 100000 : i32
      %mul3A_1244 = vector.broadcast %mul3A_1243 : i32 to vector<16xi32>
      %mul3A_1245 = arith.muli %rem3A_1238, %mul3A_1244 : vector<16xi32>
      %add3A_1246 = arith.addi %get3A_1242, %mul3A_1245 : vector<16xi32>
      %swap3A_1247 = arith.constant 6 : i32
      %swap3A_1248 = arith.index_cast %swap3A_1247 : i32 to index
      %swap3A_1249 = arith.constant 64 : index
      %swap3A_1250 = tpu.vector_load %arg6[%swap3A_1248, %swap3A_1249] {strides = array<i32>} : memref<8x128xi32, #tpu.memory_space<vmem>>, vector<1x16xi32>,
      %swap3A_1251 = vector.shape_cast %swap3A_1250 : vector<1x16xi32> to vector<16xi32>
      %swap3A_1252 = vector.shape_cast %add3A_1246 : vector<16xi32> to vector<1x16xi32>
      tpu.vector_store %arg6[%swap3A_1248, %swap3A_1249], %swap3A_1252 {strides = array<i32>} : memref<8x128xi32, #tpu.memory_space<vmem>>, vector<1x16xi32>,
      %mul3A_1253 = arith.constant 128 : i32
      %mul3A_1254 = arith.muli %add3A_1137, %mul3A_1253 : i32
      %add3A_1255 = arith.constant 80 : i32
      %add3A_1256 = arith.addi %mul3A_1254, %add3A_1255 : i32
      %add3A_1257 = vector.broadcast %add3A_1256 : i32 to vector<16xi32>
      %add3A_1258 = arith.addi %add3A_1257, %iota3A : vector<16xi32>
      %rem3A_1259 = arith.constant 26 : i32
      %rem3A_1260 = vector.broadcast %rem3A_1259 : i32 to vector<16xi32>
      %rem3A_1261 = arith.remsi %add3A_1258, %rem3A_1260 : vector<16xi32>
      %get3A_1262 = arith.index_cast %add3A_1137 : i32 to index
      %get3A_1263 = arith.constant 80 : index
      %get3A_1264 = tpu.vector_load %arg5[%get3A_1262, %get3A_1263] {strides = array<i32>} : memref<104x128xi32, #tpu.memory_space<vmem>>, vector<1x16xi32>,
      %get3A_1265 = vector.shape_cast %get3A_1264 : vector<1x16xi32> to vector<16xi32>
      %mul3A_1266 = arith.constant 100000 : i32
      %mul3A_1267 = vector.broadcast %mul3A_1266 : i32 to vector<16xi32>
      %mul3A_1268 = arith.muli %rem3A_1261, %mul3A_1267 : vector<16xi32>
      %add3A_1269 = arith.addi %get3A_1265, %mul3A_1268 : vector<16xi32>
      %swap3A_1270 = arith.constant 6 : i32
      %swap3A_1271 = arith.index_cast %swap3A_1270 : i32 to index
      %swap3A_1272 = arith.constant 80 : index
      %swap3A_1273 = tpu.vector_load %arg6[%swap3A_1271, %swap3A_1272] {strides = array<i32>} : memref<8x128xi32, #tpu.memory_space<vmem>>, vector<1x16xi32>,
      %swap3A_1274 = vector.shape_cast %swap3A_1273 : vector<1x16xi32> to vector<16xi32>
      %swap3A_1275 = vector.shape_cast %add3A_1269 : vector<16xi32> to vector<1x16xi32>
      tpu.vector_store %arg6[%swap3A_1271, %swap3A_1272], %swap3A_1275 {strides = array<i32>} : memref<8x128xi32, #tpu.memory_space<vmem>>, vector<1x16xi32>,
      %mul3A_1276 = arith.constant 128 : i32
      %mul3A_1277 = arith.muli %add3A_1137, %mul3A_1276 : i32
      %add3A_1278 = arith.constant 96 : i32
      %add3A_1279 = arith.addi %mul3A_1277, %add3A_1278 : i32
      %add3A_1280 = vector.broadcast %add3A_1279 : i32 to vector<16xi32>
      %add3A_1281 = arith.addi %add3A_1280, %iota3A : vector<16xi32>
      %rem3A_1282 = arith.constant 26 : i32
      %rem3A_1283 = vector.broadcast %rem3A_1282 : i32 to vector<16xi32>
      %rem3A_1284 = arith.remsi %add3A_1281, %rem3A_1283 : vector<16xi32>
      %get3A_1285 = arith.index_cast %add3A_1137 : i32 to index
      %get3A_1286 = arith.constant 96 : index
      %get3A_1287 = tpu.vector_load %arg5[%get3A_1285, %get3A_1286] {strides = array<i32>} : memref<104x128xi32, #tpu.memory_space<vmem>>, vector<1x16xi32>,
      %get3A_1288 = vector.shape_cast %get3A_1287 : vector<1x16xi32> to vector<16xi32>
      %mul3A_1289 = arith.constant 100000 : i32
      %mul3A_1290 = vector.broadcast %mul3A_1289 : i32 to vector<16xi32>
      %mul3A_1291 = arith.muli %rem3A_1284, %mul3A_1290 : vector<16xi32>
      %add3A_1292 = arith.addi %get3A_1288, %mul3A_1291 : vector<16xi32>
      %swap3A_1293 = arith.constant 6 : i32
      %swap3A_1294 = arith.index_cast %swap3A_1293 : i32 to index
      %swap3A_1295 = arith.constant 96 : index
      %swap3A_1296 = tpu.vector_load %arg6[%swap3A_1294, %swap3A_1295] {strides = array<i32>} : memref<8x128xi32, #tpu.memory_space<vmem>>, vector<1x16xi32>,
      %swap3A_1297 = vector.shape_cast %swap3A_1296 : vector<1x16xi32> to vector<16xi32>
      %swap3A_1298 = vector.shape_cast %add3A_1292 : vector<16xi32> to vector<1x16xi32>
      tpu.vector_store %arg6[%swap3A_1294, %swap3A_1295], %swap3A_1298 {strides = array<i32>} : memref<8x128xi32, #tpu.memory_space<vmem>>, vector<1x16xi32>,
      %mul3A_1299 = arith.constant 128 : i32
      %mul3A_1300 = arith.muli %add3A_1137, %mul3A_1299 : i32
      %add3A_1301 = arith.constant 112 : i32
      %add3A_1302 = arith.addi %mul3A_1300, %add3A_1301 : i32
      %add3A_1303 = vector.broadcast %add3A_1302 : i32 to vector<16xi32>
      %add3A_1304 = arith.addi %add3A_1303, %iota3A : vector<16xi32>
      %rem3A_1305 = arith.constant 26 : i32
      %rem3A_1306 = vector.broadcast %rem3A_1305 : i32 to vector<16xi32>
      %rem3A_1307 = arith.remsi %add3A_1304, %rem3A_1306 : vector<16xi32>
      %get3A_1308 = arith.index_cast %add3A_1137 : i32 to index
      %get3A_1309 = arith.constant 112 : index
      %get3A_1310 = tpu.vector_load %arg5[%get3A_1308, %get3A_1309] {strides = array<i32>} : memref<104x128xi32, #tpu.memory_space<vmem>>, vector<1x16xi32>,
      %get3A_1311 = vector.shape_cast %get3A_1310 : vector<1x16xi32> to vector<16xi32>
      %mul3A_1312 = arith.constant 100000 : i32
      %mul3A_1313 = vector.broadcast %mul3A_1312 : i32 to vector<16xi32>
      %mul3A_1314 = arith.muli %rem3A_1307, %mul3A_1313 : vector<16xi32>
      %add3A_1315 = arith.addi %get3A_1311, %mul3A_1314 : vector<16xi32>
      %swap3A_1316 = arith.constant 6 : i32
      %swap3A_1317 = arith.index_cast %swap3A_1316 : i32 to index
      %swap3A_1318 = arith.constant 112 : index
      %swap3A_1319 = tpu.vector_load %arg6[%swap3A_1317, %swap3A_1318] {strides = array<i32>} : memref<8x128xi32, #tpu.memory_space<vmem>>, vector<1x16xi32>,
      %swap3A_1320 = vector.shape_cast %swap3A_1319 : vector<1x16xi32> to vector<16xi32>
      %swap3A_1321 = vector.shape_cast %add3A_1315 : vector<16xi32> to vector<1x16xi32>
      tpu.vector_store %arg6[%swap3A_1317, %swap3A_1318], %swap3A_1321 {strides = array<i32>} : memref<8x128xi32, #tpu.memory_space<vmem>>, vector<1x16xi32>,
      %mul3A_1322 = arith.constant 8 : i32
      %mul3A_1323 = arith.muli %scan3A_8, %mul3A_1322 : i32
      %add3A_1324 = arith.constant 7 : i32
      %add3A_1325 = arith.addi %mul3A_1323, %add3A_1324 : i32
      %mul3A_1326 = arith.constant 128 : i32
      %mul3A_1327 = arith.muli %add3A_1325, %mul3A_1326 : i32
      %add3A_1328 = arith.constant 0 : i32
      %add3A_1329 = arith.addi %mul3A_1327, %add3A_1328 : i32
      %add3A_1330 = vector.broadcast %add3A_1329 : i32 to vector<16xi32>
      %add3A_1331 = arith.addi %add3A_1330, %iota3A : vector<16xi32>
      %rem3A_1332 = arith.constant 26 : i32
      %rem3A_1333 = vector.broadcast %rem3A_1332 : i32 to vector<16xi32>
      %rem3A_1334 = arith.remsi %add3A_1331, %rem3A_1333 : vector<16xi32>
      %get3A_1335 = arith.index_cast %add3A_1325 : i32 to index
      %get3A_1336 = arith.constant 0 : index
      %get3A_1337 = tpu.vector_load %arg5[%get3A_1335, %get3A_1336] {strides = array<i32>} : memref<104x128xi32, #tpu.memory_space<vmem>>, vector<1x16xi32>,
      %get3A_1338 = vector.shape_cast %get3A_1337 : vector<1x16xi32> to vector<16xi32>
      %mul3A_1339 = arith.constant 100000 : i32
      %mul3A_1340 = vector.broadcast %mul3A_1339 : i32 to vector<16xi32>
      %mul3A_1341 = arith.muli %rem3A_1334, %mul3A_1340 : vector<16xi32>
      %add3A_1342 = arith.addi %get3A_1338, %mul3A_1341 : vector<16xi32>
      %swap3A_1343 = arith.constant 7 : i32
      %swap3A_1344 = arith.index_cast %swap3A_1343 : i32 to index
      %swap3A_1345 = arith.constant 0 : index
      %swap3A_1346 = tpu.vector_load %arg6[%swap3A_1344, %swap3A_1345] {strides = array<i32>} : memref<8x128xi32, #tpu.memory_space<vmem>>, vector<1x16xi32>,
      %swap3A_1347 = vector.shape_cast %swap3A_1346 : vector<1x16xi32> to vector<16xi32>
      %swap3A_1348 = vector.shape_cast %add3A_1342 : vector<16xi32> to vector<1x16xi32>
      tpu.vector_store %arg6[%swap3A_1344, %swap3A_1345], %swap3A_1348 {strides = array<i32>} : memref<8x128xi32, #tpu.memory_space<vmem>>, vector<1x16xi32>,
      %mul3A_1349 = arith.constant 128 : i32
      %mul3A_1350 = arith.muli %add3A_1325, %mul3A_1349 : i32
      %add3A_1351 = arith.constant 16 : i32
      %add3A_1352 = arith.addi %mul3A_1350, %add3A_1351 : i32
      %add3A_1353 = vector.broadcast %add3A_1352 : i32 to vector<16xi32>
      %add3A_1354 = arith.addi %add3A_1353, %iota3A : vector<16xi32>
      %rem3A_1355 = arith.constant 26 : i32
      %rem3A_1356 = vector.broadcast %rem3A_1355 : i32 to vector<16xi32>
      %rem3A_1357 = arith.remsi %add3A_1354, %rem3A_1356 : vector<16xi32>
      %get3A_1358 = arith.index_cast %add3A_1325 : i32 to index
      %get3A_1359 = arith.constant 16 : index
      %get3A_1360 = tpu.vector_load %arg5[%get3A_1358, %get3A_1359] {strides = array<i32>} : memref<104x128xi32, #tpu.memory_space<vmem>>, vector<1x16xi32>,
      %get3A_1361 = vector.shape_cast %get3A_1360 : vector<1x16xi32> to vector<16xi32>
      %mul3A_1362 = arith.constant 100000 : i32
      %mul3A_1363 = vector.broadcast %mul3A_1362 : i32 to vector<16xi32>
      %mul3A_1364 = arith.muli %rem3A_1357, %mul3A_1363 : vector<16xi32>
      %add3A_1365 = arith.addi %get3A_1361, %mul3A_1364 : vector<16xi32>
      %swap3A_1366 = arith.constant 7 : i32
      %swap3A_1367 = arith.index_cast %swap3A_1366 : i32 to index
      %swap3A_1368 = arith.constant 16 : index
      %swap3A_1369 = tpu.vector_load %arg6[%swap3A_1367, %swap3A_1368] {strides = array<i32>} : memref<8x128xi32, #tpu.memory_space<vmem>>, vector<1x16xi32>,
      %swap3A_1370 = vector.shape_cast %swap3A_1369 : vector<1x16xi32> to vector<16xi32>
      %swap3A_1371 = vector.shape_cast %add3A_1365 : vector<16xi32> to vector<1x16xi32>
      tpu.vector_store %arg6[%swap3A_1367, %swap3A_1368], %swap3A_1371 {strides = array<i32>} : memref<8x128xi32, #tpu.memory_space<vmem>>, vector<1x16xi32>,
      %mul3A_1372 = arith.constant 128 : i32
      %mul3A_1373 = arith.muli %add3A_1325, %mul3A_1372 : i32
      %add3A_1374 = arith.constant 32 : i32
      %add3A_1375 = arith.addi %mul3A_1373, %add3A_1374 : i32
      %add3A_1376 = vector.broadcast %add3A_1375 : i32 to vector<16xi32>
      %add3A_1377 = arith.addi %add3A_1376, %iota3A : vector<16xi32>
      %rem3A_1378 = arith.constant 26 : i32
      %rem3A_1379 = vector.broadcast %rem3A_1378 : i32 to vector<16xi32>
      %rem3A_1380 = arith.remsi %add3A_1377, %rem3A_1379 : vector<16xi32>
      %get3A_1381 = arith.index_cast %add3A_1325 : i32 to index
      %get3A_1382 = arith.constant 32 : index
      %get3A_1383 = tpu.vector_load %arg5[%get3A_1381, %get3A_1382] {strides = array<i32>} : memref<104x128xi32, #tpu.memory_space<vmem>>, vector<1x16xi32>,
      %get3A_1384 = vector.shape_cast %get3A_1383 : vector<1x16xi32> to vector<16xi32>
      %mul3A_1385 = arith.constant 100000 : i32
      %mul3A_1386 = vector.broadcast %mul3A_1385 : i32 to vector<16xi32>
      %mul3A_1387 = arith.muli %rem3A_1380, %mul3A_1386 : vector<16xi32>
      %add3A_1388 = arith.addi %get3A_1384, %mul3A_1387 : vector<16xi32>
      %swap3A_1389 = arith.constant 7 : i32
      %swap3A_1390 = arith.index_cast %swap3A_1389 : i32 to index
      %swap3A_1391 = arith.constant 32 : index
      %swap3A_1392 = tpu.vector_load %arg6[%swap3A_1390, %swap3A_1391] {strides = array<i32>} : memref<8x128xi32, #tpu.memory_space<vmem>>, vector<1x16xi32>,
      %swap3A_1393 = vector.shape_cast %swap3A_1392 : vector<1x16xi32> to vector<16xi32>
      %swap3A_1394 = vector.shape_cast %add3A_1388 : vector<16xi32> to vector<1x16xi32>
      tpu.vector_store %arg6[%swap3A_1390, %swap3A_1391], %swap3A_1394 {strides = array<i32>} : memref<8x128xi32, #tpu.memory_space<vmem>>, vector<1x16xi32>,
      %mul3A_1395 = arith.constant 128 : i32
      %mul3A_1396 = arith.muli %add3A_1325, %mul3A_1395 : i32
      %add3A_1397 = arith.constant 48 : i32
      %add3A_1398 = arith.addi %mul3A_1396, %add3A_1397 : i32
      %add3A_1399 = vector.broadcast %add3A_1398 : i32 to vector<16xi32>
      %add3A_1400 = arith.addi %add3A_1399, %iota3A : vector<16xi32>
      %rem3A_1401 = arith.constant 26 : i32
      %rem3A_1402 = vector.broadcast %rem3A_1401 : i32 to vector<16xi32>
      %rem3A_1403 = arith.remsi %add3A_1400, %rem3A_1402 : vector<16xi32>
      %get3A_1404 = arith.index_cast %add3A_1325 : i32 to index
      %get3A_1405 = arith.constant 48 : index
      %get3A_1406 = tpu.vector_load %arg5[%get3A_1404, %get3A_1405] {strides = array<i32>} : memref<104x128xi32, #tpu.memory_space<vmem>>, vector<1x16xi32>,
      %get3A_1407 = vector.shape_cast %get3A_1406 : vector<1x16xi32> to vector<16xi32>
      %mul3A_1408 = arith.constant 100000 : i32
      %mul3A_1409 = vector.broadcast %mul3A_1408 : i32 to vector<16xi32>
      %mul3A_1410 = arith.muli %rem3A_1403, %mul3A_1409 : vector<16xi32>
      %add3A_1411 = arith.addi %get3A_1407, %mul3A_1410 : vector<16xi32>
      %swap3A_1412 = arith.constant 7 : i32
      %swap3A_1413 = arith.index_cast %swap3A_1412 : i32 to index
      %swap3A_1414 = arith.constant 48 : index
      %swap3A_1415 = tpu.vector_load %arg6[%swap3A_1413, %swap3A_1414] {strides = array<i32>} : memref<8x128xi32, #tpu.memory_space<vmem>>, vector<1x16xi32>,
      %swap3A_1416 = vector.shape_cast %swap3A_1415 : vector<1x16xi32> to vector<16xi32>
      %swap3A_1417 = vector.shape_cast %add3A_1411 : vector<16xi32> to vector<1x16xi32>
      tpu.vector_store %arg6[%swap3A_1413, %swap3A_1414], %swap3A_1417 {strides = array<i32>} : memref<8x128xi32, #tpu.memory_space<vmem>>, vector<1x16xi32>,
      %mul3A_1418 = arith.constant 128 : i32
      %mul3A_1419 = arith.muli %add3A_1325, %mul3A_1418 : i32
      %add3A_1420 = arith.constant 64 : i32
      %add3A_1421 = arith.addi %mul3A_1419, %add3A_1420 : i32
      %add3A_1422 = vector.broadcast %add3A_1421 : i32 to vector<16xi32>
      %add3A_1423 = arith.addi %add3A_1422, %iota3A : vector<16xi32>
      %rem3A_1424 = arith.constant 26 : i32
      %rem3A_1425 = vector.broadcast %rem3A_1424 : i32 to vector<16xi32>
      %rem3A_1426 = arith.remsi %add3A_1423, %rem3A_1425 : vector<16xi32>
      %get3A_1427 = arith.index_cast %add3A_1325 : i32 to index
      %get3A_1428 = arith.constant 64 : index
      %get3A_1429 = tpu.vector_load %arg5[%get3A_1427, %get3A_1428] {strides = array<i32>} : memref<104x128xi32, #tpu.memory_space<vmem>>, vector<1x16xi32>,
      %get3A_1430 = vector.shape_cast %get3A_1429 : vector<1x16xi32> to vector<16xi32>
      %mul3A_1431 = arith.constant 100000 : i32
      %mul3A_1432 = vector.broadcast %mul3A_1431 : i32 to vector<16xi32>
      %mul3A_1433 = arith.muli %rem3A_1426, %mul3A_1432 : vector<16xi32>
      %add3A_1434 = arith.addi %get3A_1430, %mul3A_1433 : vector<16xi32>
      %swap3A_1435 = arith.constant 7 : i32
      %swap3A_1436 = arith.index_cast %swap3A_1435 : i32 to index
      %swap3A_1437 = arith.constant 64 : index
      %swap3A_1438 = tpu.vector_load %arg6[%swap3A_1436, %swap3A_1437] {strides = array<i32>} : memref<8x128xi32, #tpu.memory_space<vmem>>, vector<1x16xi32>,
      %swap3A_1439 = vector.shape_cast %swap3A_1438 : vector<1x16xi32> to vector<16xi32>
      %swap3A_1440 = vector.shape_cast %add3A_1434 : vector<16xi32> to vector<1x16xi32>
      tpu.vector_store %arg6[%swap3A_1436, %swap3A_1437], %swap3A_1440 {strides = array<i32>} : memref<8x128xi32, #tpu.memory_space<vmem>>, vector<1x16xi32>,
      %mul3A_1441 = arith.constant 128 : i32
      %mul3A_1442 = arith.muli %add3A_1325, %mul3A_1441 : i32
      %add3A_1443 = arith.constant 80 : i32
      %add3A_1444 = arith.addi %mul3A_1442, %add3A_1443 : i32
      %add3A_1445 = vector.broadcast %add3A_1444 : i32 to vector<16xi32>
      %add3A_1446 = arith.addi %add3A_1445, %iota3A : vector<16xi32>
      %rem3A_1447 = arith.constant 26 : i32
      %rem3A_1448 = vector.broadcast %rem3A_1447 : i32 to vector<16xi32>
      %rem3A_1449 = arith.remsi %add3A_1446, %rem3A_1448 : vector<16xi32>
      %get3A_1450 = arith.index_cast %add3A_1325 : i32 to index
      %get3A_1451 = arith.constant 80 : index
      %get3A_1452 = tpu.vector_load %arg5[%get3A_1450, %get3A_1451] {strides = array<i32>} : memref<104x128xi32, #tpu.memory_space<vmem>>, vector<1x16xi32>,
      %get3A_1453 = vector.shape_cast %get3A_1452 : vector<1x16xi32> to vector<16xi32>
      %mul3A_1454 = arith.constant 100000 : i32
      %mul3A_1455 = vector.broadcast %mul3A_1454 : i32 to vector<16xi32>
      %mul3A_1456 = arith.muli %rem3A_1449, %mul3A_1455 : vector<16xi32>
      %add3A_1457 = arith.addi %get3A_1453, %mul3A_1456 : vector<16xi32>
      %swap3A_1458 = arith.constant 7 : i32
      %swap3A_1459 = arith.index_cast %swap3A_1458 : i32 to index
      %swap3A_1460 = arith.constant 80 : index
      %swap3A_1461 = tpu.vector_load %arg6[%swap3A_1459, %swap3A_1460] {strides = array<i32>} : memref<8x128xi32, #tpu.memory_space<vmem>>, vector<1x16xi32>,
      %swap3A_1462 = vector.shape_cast %swap3A_1461 : vector<1x16xi32> to vector<16xi32>
      %swap3A_1463 = vector.shape_cast %add3A_1457 : vector<16xi32> to vector<1x16xi32>
      tpu.vector_store %arg6[%swap3A_1459, %swap3A_1460], %swap3A_1463 {strides = array<i32>} : memref<8x128xi32, #tpu.memory_space<vmem>>, vector<1x16xi32>,
      %mul3A_1464 = arith.constant 128 : i32
      %mul3A_1465 = arith.muli %add3A_1325, %mul3A_1464 : i32
      %add3A_1466 = arith.constant 96 : i32
      %add3A_1467 = arith.addi %mul3A_1465, %add3A_1466 : i32
      %add3A_1468 = vector.broadcast %add3A_1467 : i32 to vector<16xi32>
      %add3A_1469 = arith.addi %add3A_1468, %iota3A : vector<16xi32>
      %rem3A_1470 = arith.constant 26 : i32
      %rem3A_1471 = vector.broadcast %rem3A_1470 : i32 to vector<16xi32>
      %rem3A_1472 = arith.remsi %add3A_1469, %rem3A_1471 : vector<16xi32>
      %get3A_1473 = arith.index_cast %add3A_1325 : i32 to index
      %get3A_1474 = arith.constant 96 : index
      %get3A_1475 = tpu.vector_load %arg5[%get3A_1473, %get3A_1474] {strides = array<i32>} : memref<104x128xi32, #tpu.memory_space<vmem>>, vector<1x16xi32>,
      %get3A_1476 = vector.shape_cast %get3A_1475 : vector<1x16xi32> to vector<16xi32>
      %mul3A_1477 = arith.constant 100000 : i32
      %mul3A_1478 = vector.broadcast %mul3A_1477 : i32 to vector<16xi32>
      %mul3A_1479 = arith.muli %rem3A_1472, %mul3A_1478 : vector<16xi32>
      %add3A_1480 = arith.addi %get3A_1476, %mul3A_1479 : vector<16xi32>
      %swap3A_1481 = arith.constant 7 : i32
      %swap3A_1482 = arith.index_cast %swap3A_1481 : i32 to index
      %swap3A_1483 = arith.constant 96 : index
      %swap3A_1484 = tpu.vector_load %arg6[%swap3A_1482, %swap3A_1483] {strides = array<i32>} : memref<8x128xi32, #tpu.memory_space<vmem>>, vector<1x16xi32>,
      %swap3A_1485 = vector.shape_cast %swap3A_1484 : vector<1x16xi32> to vector<16xi32>
      %swap3A_1486 = vector.shape_cast %add3A_1480 : vector<16xi32> to vector<1x16xi32>
      tpu.vector_store %arg6[%swap3A_1482, %swap3A_1483], %swap3A_1486 {strides = array<i32>} : memref<8x128xi32, #tpu.memory_space<vmem>>, vector<1x16xi32>,
      %mul3A_1487 = arith.constant 128 : i32
      %mul3A_1488 = arith.muli %add3A_1325, %mul3A_1487 : i32
      %add3A_1489 = arith.constant 112 : i32
      %add3A_1490 = arith.addi %mul3A_1488, %add3A_1489 : i32
      %add3A_1491 = vector.broadcast %add3A_1490 : i32 to vector<16xi32>
      %add3A_1492 = arith.addi %add3A_1491, %iota3A : vector<16xi32>
      %rem3A_1493 = arith.constant 26 : i32
      %rem3A_1494 = vector.broadcast %rem3A_1493 : i32 to vector<16xi32>
      %rem3A_1495 = arith.remsi %add3A_1492, %rem3A_1494 : vector<16xi32>
      %get3A_1496 = arith.index_cast %add3A_1325 : i32 to index
      %get3A_1497 = arith.constant 112 : index
      %get3A_1498 = tpu.vector_load %arg5[%get3A_1496, %get3A_1497] {strides = array<i32>} : memref<104x128xi32, #tpu.memory_space<vmem>>, vector<1x16xi32>,
      %get3A_1499 = vector.shape_cast %get3A_1498 : vector<1x16xi32> to vector<16xi32>
      %mul3A_1500 = arith.constant 100000 : i32
      %mul3A_1501 = vector.broadcast %mul3A_1500 : i32 to vector<16xi32>
      %mul3A_1502 = arith.muli %rem3A_1495, %mul3A_1501 : vector<16xi32>
      %add3A_1503 = arith.addi %get3A_1499, %mul3A_1502 : vector<16xi32>
      %swap3A_1504 = arith.constant 7 : i32
      %swap3A_1505 = arith.index_cast %swap3A_1504 : i32 to index
      %swap3A_1506 = arith.constant 112 : index
      %swap3A_1507 = tpu.vector_load %arg6[%swap3A_1505, %swap3A_1506] {strides = array<i32>} : memref<8x128xi32, #tpu.memory_space<vmem>>, vector<1x16xi32>,
      %swap3A_1508 = vector.shape_cast %swap3A_1507 : vector<1x16xi32> to vector<16xi32>
      %swap3A_1509 = vector.shape_cast %add3A_1503 : vector<16xi32> to vector<1x16xi32>
      tpu.vector_store %arg6[%swap3A_1505, %swap3A_1506], %swap3A_1509 {strides = array<i32>} : memref<8x128xi32, #tpu.memory_space<vmem>>, vector<1x16xi32>,
      %dma_start3A = arith.constant 0 : i32
      %dma_start3A_1510 = arith.constant 0 : i32
      %dma_start3A_1511 = arith.constant 0 : i32
      %dma_start3A_1512 = tpu.memref_slice %arg7[%dma_start3A_1510, %dma_start3A_1511] : memref<1024x32xf32, #tpu.memory_space<vmem>> -> memref<128x32xf32, #tpu.memory_space<vmem>>
      %dma_start3A_1513 = arith.constant 0 : i32
      %dma_start3A_1514 = tpu.memref_slice %arg6[%dma_start3A, %dma_start3A_1513] : memref<8x128xi32, #tpu.memory_space<vmem>> -> memref<1x128xi32, #tpu.memory_space<vmem>>
      %dma_start3A_1515 = tpu.memref_squeeze %dma_start3A_1514 : memref<1x128xi32, #tpu.memory_space<vmem>> -> memref<128xi32, #tpu.memory_space<vmem>>
      %dma_start3A_1516 = arith.constant 0 : i32
      %dma_start3A_1517 = arith.constant 0 : i32
      %dma_start3A_1518 = tpu.memref_slice %arg2[%dma_start3A_1516, %dma_start3A_1517] : memref<2600000x32xf32, #tpu.memory_space<hbm>> -> memref<2600000x32xf32, #tpu.memory_space<hbm>>
      tpu.enqueue_indirect_dma source(%dma_start3A_1518 : memref<2600000x32xf32, #tpu.memory_space<hbm>>) target(%dma_start3A_1512 : memref<128x32xf32, #tpu.memory_space<vmem>>) offsets(%dma_start3A_1515 : memref<128xi32, #tpu.memory_space<vmem>>) semaphore(%arg8 : memref<!tpu.dma_semaphore, #tpu.memory_space<semaphore_mem>>)
      %dma_start3A_1519 = arith.constant 1 : i32
      %dma_start3A_1520 = arith.constant 128 : i32
      %dma_start3A_1521 = arith.constant 0 : i32
      %dma_start3A_1522 = tpu.memref_slice %arg7[%dma_start3A_1520, %dma_start3A_1521] : memref<1024x32xf32, #tpu.memory_space<vmem>> -> memref<128x32xf32, #tpu.memory_space<vmem>>
      %dma_start3A_1523 = arith.constant 0 : i32
      %dma_start3A_1524 = tpu.memref_slice %arg6[%dma_start3A_1519, %dma_start3A_1523] : memref<8x128xi32, #tpu.memory_space<vmem>> -> memref<1x128xi32, #tpu.memory_space<vmem>>
      %dma_start3A_1525 = tpu.memref_squeeze %dma_start3A_1524 : memref<1x128xi32, #tpu.memory_space<vmem>> -> memref<128xi32, #tpu.memory_space<vmem>>
      %dma_start3A_1526 = arith.constant 0 : i32
      %dma_start3A_1527 = arith.constant 0 : i32
      %dma_start3A_1528 = tpu.memref_slice %arg2[%dma_start3A_1526, %dma_start3A_1527] : memref<2600000x32xf32, #tpu.memory_space<hbm>> -> memref<2600000x32xf32, #tpu.memory_space<hbm>>
      tpu.enqueue_indirect_dma source(%dma_start3A_1528 : memref<2600000x32xf32, #tpu.memory_space<hbm>>) target(%dma_start3A_1522 : memref<128x32xf32, #tpu.memory_space<vmem>>) offsets(%dma_start3A_1525 : memref<128xi32, #tpu.memory_space<vmem>>) semaphore(%arg8 : memref<!tpu.dma_semaphore, #tpu.memory_space<semaphore_mem>>)
      %dma_start3A_1529 = arith.constant 2 : i32
      %dma_start3A_1530 = arith.constant 256 : i32
      %dma_start3A_1531 = arith.constant 0 : i32
      %dma_start3A_1532 = tpu.memref_slice %arg7[%dma_start3A_1530, %dma_start3A_1531] : memref<1024x32xf32, #tpu.memory_space<vmem>> -> memref<128x32xf32, #tpu.memory_space<vmem>>
      %dma_start3A_1533 = arith.constant 0 : i32
      %dma_start3A_1534 = tpu.memref_slice %arg6[%dma_start3A_1529, %dma_start3A_1533] : memref<8x128xi32, #tpu.memory_space<vmem>> -> memref<1x128xi32, #tpu.memory_space<vmem>>
      %dma_start3A_1535 = tpu.memref_squeeze %dma_start3A_1534 : memref<1x128xi32, #tpu.memory_space<vmem>> -> memref<128xi32, #tpu.memory_space<vmem>>
      %dma_start3A_1536 = arith.constant 0 : i32
      %dma_start3A_1537 = arith.constant 0 : i32
      %dma_start3A_1538 = tpu.memref_slice %arg2[%dma_start3A_1536, %dma_start3A_1537] : memref<2600000x32xf32, #tpu.memory_space<hbm>> -> memref<2600000x32xf32, #tpu.memory_space<hbm>>
      tpu.enqueue_indirect_dma source(%dma_start3A_1538 : memref<2600000x32xf32, #tpu.memory_space<hbm>>) target(%dma_start3A_1532 : memref<128x32xf32, #tpu.memory_space<vmem>>) offsets(%dma_start3A_1535 : memref<128xi32, #tpu.memory_space<vmem>>) semaphore(%arg8 : memref<!tpu.dma_semaphore, #tpu.memory_space<semaphore_mem>>)
      %dma_start3A_1539 = arith.constant 3 : i32
      %dma_start3A_1540 = arith.constant 384 : i32
      %dma_start3A_1541 = arith.constant 0 : i32
      %dma_start3A_1542 = tpu.memref_slice %arg7[%dma_start3A_1540, %dma_start3A_1541] : memref<1024x32xf32, #tpu.memory_space<vmem>> -> memref<128x32xf32, #tpu.memory_space<vmem>>
      %dma_start3A_1543 = arith.constant 0 : i32
      %dma_start3A_1544 = tpu.memref_slice %arg6[%dma_start3A_1539, %dma_start3A_1543] : memref<8x128xi32, #tpu.memory_space<vmem>> -> memref<1x128xi32, #tpu.memory_space<vmem>>
      %dma_start3A_1545 = tpu.memref_squeeze %dma_start3A_1544 : memref<1x128xi32, #tpu.memory_space<vmem>> -> memref<128xi32, #tpu.memory_space<vmem>>
      %dma_start3A_1546 = arith.constant 0 : i32
      %dma_start3A_1547 = arith.constant 0 : i32
      %dma_start3A_1548 = tpu.memref_slice %arg2[%dma_start3A_1546, %dma_start3A_1547] : memref<2600000x32xf32, #tpu.memory_space<hbm>> -> memref<2600000x32xf32, #tpu.memory_space<hbm>>
      tpu.enqueue_indirect_dma source(%dma_start3A_1548 : memref<2600000x32xf32, #tpu.memory_space<hbm>>) target(%dma_start3A_1542 : memref<128x32xf32, #tpu.memory_space<vmem>>) offsets(%dma_start3A_1545 : memref<128xi32, #tpu.memory_space<vmem>>) semaphore(%arg8 : memref<!tpu.dma_semaphore, #tpu.memory_space<semaphore_mem>>)
      %dma_start3A_1549 = arith.constant 4 : i32
      %dma_start3A_1550 = arith.constant 512 : i32
      %dma_start3A_1551 = arith.constant 0 : i32
      %dma_start3A_1552 = tpu.memref_slice %arg7[%dma_start3A_1550, %dma_start3A_1551] : memref<1024x32xf32, #tpu.memory_space<vmem>> -> memref<128x32xf32, #tpu.memory_space<vmem>>
      %dma_start3A_1553 = arith.constant 0 : i32
      %dma_start3A_1554 = tpu.memref_slice %arg6[%dma_start3A_1549, %dma_start3A_1553] : memref<8x128xi32, #tpu.memory_space<vmem>> -> memref<1x128xi32, #tpu.memory_space<vmem>>
      %dma_start3A_1555 = tpu.memref_squeeze %dma_start3A_1554 : memref<1x128xi32, #tpu.memory_space<vmem>> -> memref<128xi32, #tpu.memory_space<vmem>>
      %dma_start3A_1556 = arith.constant 0 : i32
      %dma_start3A_1557 = arith.constant 0 : i32
      %dma_start3A_1558 = tpu.memref_slice %arg2[%dma_start3A_1556, %dma_start3A_1557] : memref<2600000x32xf32, #tpu.memory_space<hbm>> -> memref<2600000x32xf32, #tpu.memory_space<hbm>>
      tpu.enqueue_indirect_dma source(%dma_start3A_1558 : memref<2600000x32xf32, #tpu.memory_space<hbm>>) target(%dma_start3A_1552 : memref<128x32xf32, #tpu.memory_space<vmem>>) offsets(%dma_start3A_1555 : memref<128xi32, #tpu.memory_space<vmem>>) semaphore(%arg8 : memref<!tpu.dma_semaphore, #tpu.memory_space<semaphore_mem>>)
      %dma_start3A_1559 = arith.constant 5 : i32
      %dma_start3A_1560 = arith.constant 640 : i32
      %dma_start3A_1561 = arith.constant 0 : i32
      %dma_start3A_1562 = tpu.memref_slice %arg7[%dma_start3A_1560, %dma_start3A_1561] : memref<1024x32xf32, #tpu.memory_space<vmem>> -> memref<128x32xf32, #tpu.memory_space<vmem>>
      %dma_start3A_1563 = arith.constant 0 : i32
      %dma_start3A_1564 = tpu.memref_slice %arg6[%dma_start3A_1559, %dma_start3A_1563] : memref<8x128xi32, #tpu.memory_space<vmem>> -> memref<1x128xi32, #tpu.memory_space<vmem>>
      %dma_start3A_1565 = tpu.memref_squeeze %dma_start3A_1564 : memref<1x128xi32, #tpu.memory_space<vmem>> -> memref<128xi32, #tpu.memory_space<vmem>>
      %dma_start3A_1566 = arith.constant 0 : i32
      %dma_start3A_1567 = arith.constant 0 : i32
      %dma_start3A_1568 = tpu.memref_slice %arg2[%dma_start3A_1566, %dma_start3A_1567] : memref<2600000x32xf32, #tpu.memory_space<hbm>> -> memref<2600000x32xf32, #tpu.memory_space<hbm>>
      tpu.enqueue_indirect_dma source(%dma_start3A_1568 : memref<2600000x32xf32, #tpu.memory_space<hbm>>) target(%dma_start3A_1562 : memref<128x32xf32, #tpu.memory_space<vmem>>) offsets(%dma_start3A_1565 : memref<128xi32, #tpu.memory_space<vmem>>) semaphore(%arg8 : memref<!tpu.dma_semaphore, #tpu.memory_space<semaphore_mem>>)
      %dma_start3A_1569 = arith.constant 6 : i32
      %dma_start3A_1570 = arith.constant 768 : i32
      %dma_start3A_1571 = arith.constant 0 : i32
      %dma_start3A_1572 = tpu.memref_slice %arg7[%dma_start3A_1570, %dma_start3A_1571] : memref<1024x32xf32, #tpu.memory_space<vmem>> -> memref<128x32xf32, #tpu.memory_space<vmem>>
      %dma_start3A_1573 = arith.constant 0 : i32
      %dma_start3A_1574 = tpu.memref_slice %arg6[%dma_start3A_1569, %dma_start3A_1573] : memref<8x128xi32, #tpu.memory_space<vmem>> -> memref<1x128xi32, #tpu.memory_space<vmem>>
      %dma_start3A_1575 = tpu.memref_squeeze %dma_start3A_1574 : memref<1x128xi32, #tpu.memory_space<vmem>> -> memref<128xi32, #tpu.memory_space<vmem>>
      %dma_start3A_1576 = arith.constant 0 : i32
      %dma_start3A_1577 = arith.constant 0 : i32
      %dma_start3A_1578 = tpu.memref_slice %arg2[%dma_start3A_1576, %dma_start3A_1577] : memref<2600000x32xf32, #tpu.memory_space<hbm>> -> memref<2600000x32xf32, #tpu.memory_space<hbm>>
      tpu.enqueue_indirect_dma source(%dma_start3A_1578 : memref<2600000x32xf32, #tpu.memory_space<hbm>>) target(%dma_start3A_1572 : memref<128x32xf32, #tpu.memory_space<vmem>>) offsets(%dma_start3A_1575 : memref<128xi32, #tpu.memory_space<vmem>>) semaphore(%arg8 : memref<!tpu.dma_semaphore, #tpu.memory_space<semaphore_mem>>)
      %dma_start3A_1579 = arith.constant 7 : i32
      %dma_start3A_1580 = arith.constant 896 : i32
      %dma_start3A_1581 = arith.constant 0 : i32
      %dma_start3A_1582 = tpu.memref_slice %arg7[%dma_start3A_1580, %dma_start3A_1581] : memref<1024x32xf32, #tpu.memory_space<vmem>> -> memref<128x32xf32, #tpu.memory_space<vmem>>
      %dma_start3A_1583 = arith.constant 0 : i32
      %dma_start3A_1584 = tpu.memref_slice %arg6[%dma_start3A_1579, %dma_start3A_1583] : memref<8x128xi32, #tpu.memory_space<vmem>> -> memref<1x128xi32, #tpu.memory_space<vmem>>
      %dma_start3A_1585 = tpu.memref_squeeze %dma_start3A_1584 : memref<1x128xi32, #tpu.memory_space<vmem>> -> memref<128xi32, #tpu.memory_space<vmem>>
      %dma_start3A_1586 = arith.constant 0 : i32
      %dma_start3A_1587 = arith.constant 0 : i32
      %dma_start3A_1588 = tpu.memref_slice %arg2[%dma_start3A_1586, %dma_start3A_1587] : memref<2600000x32xf32, #tpu.memory_space<hbm>> -> memref<2600000x32xf32, #tpu.memory_space<hbm>>
      tpu.enqueue_indirect_dma source(%dma_start3A_1588 : memref<2600000x32xf32, #tpu.memory_space<hbm>>) target(%dma_start3A_1582 : memref<128x32xf32, #tpu.memory_space<vmem>>) offsets(%dma_start3A_1585 : memref<128xi32, #tpu.memory_space<vmem>>) semaphore(%arg8 : memref<!tpu.dma_semaphore, #tpu.memory_space<semaphore_mem>>)
      %dma_wait3A = arith.constant 0 : i32
      %dma_wait3A_1589 = arith.constant 0 : i32
      %dma_wait3A_1590 = arith.constant 0 : i32
      %dma_wait3A_1591 = tpu.memref_slice %arg7[%dma_wait3A_1589, %dma_wait3A_1590] : memref<1024x32xf32, #tpu.memory_space<vmem>> -> memref<128x32xf32, #tpu.memory_space<vmem>>
      %dma_wait3A_1592 = arith.constant 0 : i32
      %dma_wait3A_1593 = tpu.memref_slice %arg6[%dma_wait3A, %dma_wait3A_1592] : memref<8x128xi32, #tpu.memory_space<vmem>> -> memref<1x128xi32, #tpu.memory_space<vmem>>
      %dma_wait3A_1594 = tpu.memref_squeeze %dma_wait3A_1593 : memref<1x128xi32, #tpu.memory_space<vmem>> -> memref<128xi32, #tpu.memory_space<vmem>>
      %dma_wait3A_1595 = arith.constant 0 : i32
      %dma_wait3A_1596 = arith.constant 0 : i32
      %dma_wait3A_1597 = tpu.memref_slice %arg2[%dma_wait3A_1595, %dma_wait3A_1596] : memref<2600000x32xf32, #tpu.memory_space<hbm>> -> memref<2600000x32xf32, #tpu.memory_space<hbm>>
      tpu.wait_indirect_dma semaphore(%arg8 : memref<!tpu.dma_semaphore, #tpu.memory_space<semaphore_mem>>) src(%dma_wait3A_1597 : memref<2600000x32xf32, #tpu.memory_space<hbm>>) dst(%dma_wait3A_1591 : memref<128x32xf32, #tpu.memory_space<vmem>>)
      %dma_wait3A_1598 = arith.constant 1 : i32
      %dma_wait3A_1599 = arith.constant 128 : i32
      %dma_wait3A_1600 = arith.constant 0 : i32
      %dma_wait3A_1601 = tpu.memref_slice %arg7[%dma_wait3A_1599, %dma_wait3A_1600] : memref<1024x32xf32, #tpu.memory_space<vmem>> -> memref<128x32xf32, #tpu.memory_space<vmem>>
      %dma_wait3A_1602 = arith.constant 0 : i32
      %dma_wait3A_1603 = tpu.memref_slice %arg6[%dma_wait3A_1598, %dma_wait3A_1602] : memref<8x128xi32, #tpu.memory_space<vmem>> -> memref<1x128xi32, #tpu.memory_space<vmem>>
      %dma_wait3A_1604 = tpu.memref_squeeze %dma_wait3A_1603 : memref<1x128xi32, #tpu.memory_space<vmem>> -> memref<128xi32, #tpu.memory_space<vmem>>
      %dma_wait3A_1605 = arith.constant 0 : i32
      %dma_wait3A_1606 = arith.constant 0 : i32
      %dma_wait3A_1607 = tpu.memref_slice %arg2[%dma_wait3A_1605, %dma_wait3A_1606] : memref<2600000x32xf32, #tpu.memory_space<hbm>> -> memref<2600000x32xf32, #tpu.memory_space<hbm>>
      tpu.wait_indirect_dma semaphore(%arg8 : memref<!tpu.dma_semaphore, #tpu.memory_space<semaphore_mem>>) src(%dma_wait3A_1607 : memref<2600000x32xf32, #tpu.memory_space<hbm>>) dst(%dma_wait3A_1601 : memref<128x32xf32, #tpu.memory_space<vmem>>)
      %dma_wait3A_1608 = arith.constant 2 : i32
      %dma_wait3A_1609 = arith.constant 256 : i32
      %dma_wait3A_1610 = arith.constant 0 : i32
      %dma_wait3A_1611 = tpu.memref_slice %arg7[%dma_wait3A_1609, %dma_wait3A_1610] : memref<1024x32xf32, #tpu.memory_space<vmem>> -> memref<128x32xf32, #tpu.memory_space<vmem>>
      %dma_wait3A_1612 = arith.constant 0 : i32
      %dma_wait3A_1613 = tpu.memref_slice %arg6[%dma_wait3A_1608, %dma_wait3A_1612] : memref<8x128xi32, #tpu.memory_space<vmem>> -> memref<1x128xi32, #tpu.memory_space<vmem>>
      %dma_wait3A_1614 = tpu.memref_squeeze %dma_wait3A_1613 : memref<1x128xi32, #tpu.memory_space<vmem>> -> memref<128xi32, #tpu.memory_space<vmem>>
      %dma_wait3A_1615 = arith.constant 0 : i32
      %dma_wait3A_1616 = arith.constant 0 : i32
      %dma_wait3A_1617 = tpu.memref_slice %arg2[%dma_wait3A_1615, %dma_wait3A_1616] : memref<2600000x32xf32, #tpu.memory_space<hbm>> -> memref<2600000x32xf32, #tpu.memory_space<hbm>>
      tpu.wait_indirect_dma semaphore(%arg8 : memref<!tpu.dma_semaphore, #tpu.memory_space<semaphore_mem>>) src(%dma_wait3A_1617 : memref<2600000x32xf32, #tpu.memory_space<hbm>>) dst(%dma_wait3A_1611 : memref<128x32xf32, #tpu.memory_space<vmem>>)
      %dma_wait3A_1618 = arith.constant 3 : i32
      %dma_wait3A_1619 = arith.constant 384 : i32
      %dma_wait3A_1620 = arith.constant 0 : i32
      %dma_wait3A_1621 = tpu.memref_slice %arg7[%dma_wait3A_1619, %dma_wait3A_1620] : memref<1024x32xf32, #tpu.memory_space<vmem>> -> memref<128x32xf32, #tpu.memory_space<vmem>>
      %dma_wait3A_1622 = arith.constant 0 : i32
      %dma_wait3A_1623 = tpu.memref_slice %arg6[%dma_wait3A_1618, %dma_wait3A_1622] : memref<8x128xi32, #tpu.memory_space<vmem>> -> memref<1x128xi32, #tpu.memory_space<vmem>>
      %dma_wait3A_1624 = tpu.memref_squeeze %dma_wait3A_1623 : memref<1x128xi32, #tpu.memory_space<vmem>> -> memref<128xi32, #tpu.memory_space<vmem>>
      %dma_wait3A_1625 = arith.constant 0 : i32
      %dma_wait3A_1626 = arith.constant 0 : i32
      %dma_wait3A_1627 = tpu.memref_slice %arg2[%dma_wait3A_1625, %dma_wait3A_1626] : memref<2600000x32xf32, #tpu.memory_space<hbm>> -> memref<2600000x32xf32, #tpu.memory_space<hbm>>
      tpu.wait_indirect_dma semaphore(%arg8 : memref<!tpu.dma_semaphore, #tpu.memory_space<semaphore_mem>>) src(%dma_wait3A_1627 : memref<2600000x32xf32, #tpu.memory_space<hbm>>) dst(%dma_wait3A_1621 : memref<128x32xf32, #tpu.memory_space<vmem>>)
      %dma_wait3A_1628 = arith.constant 4 : i32
      %dma_wait3A_1629 = arith.constant 512 : i32
      %dma_wait3A_1630 = arith.constant 0 : i32
      %dma_wait3A_1631 = tpu.memref_slice %arg7[%dma_wait3A_1629, %dma_wait3A_1630] : memref<1024x32xf32, #tpu.memory_space<vmem>> -> memref<128x32xf32, #tpu.memory_space<vmem>>
      %dma_wait3A_1632 = arith.constant 0 : i32
      %dma_wait3A_1633 = tpu.memref_slice %arg6[%dma_wait3A_1628, %dma_wait3A_1632] : memref<8x128xi32, #tpu.memory_space<vmem>> -> memref<1x128xi32, #tpu.memory_space<vmem>>
      %dma_wait3A_1634 = tpu.memref_squeeze %dma_wait3A_1633 : memref<1x128xi32, #tpu.memory_space<vmem>> -> memref<128xi32, #tpu.memory_space<vmem>>
      %dma_wait3A_1635 = arith.constant 0 : i32
      %dma_wait3A_1636 = arith.constant 0 : i32
      %dma_wait3A_1637 = tpu.memref_slice %arg2[%dma_wait3A_1635, %dma_wait3A_1636] : memref<2600000x32xf32, #tpu.memory_space<hbm>> -> memref<2600000x32xf32, #tpu.memory_space<hbm>>
      tpu.wait_indirect_dma semaphore(%arg8 : memref<!tpu.dma_semaphore, #tpu.memory_space<semaphore_mem>>) src(%dma_wait3A_1637 : memref<2600000x32xf32, #tpu.memory_space<hbm>>) dst(%dma_wait3A_1631 : memref<128x32xf32, #tpu.memory_space<vmem>>)
      %dma_wait3A_1638 = arith.constant 5 : i32
      %dma_wait3A_1639 = arith.constant 640 : i32
      %dma_wait3A_1640 = arith.constant 0 : i32
      %dma_wait3A_1641 = tpu.memref_slice %arg7[%dma_wait3A_1639, %dma_wait3A_1640] : memref<1024x32xf32, #tpu.memory_space<vmem>> -> memref<128x32xf32, #tpu.memory_space<vmem>>
      %dma_wait3A_1642 = arith.constant 0 : i32
      %dma_wait3A_1643 = tpu.memref_slice %arg6[%dma_wait3A_1638, %dma_wait3A_1642] : memref<8x128xi32, #tpu.memory_space<vmem>> -> memref<1x128xi32, #tpu.memory_space<vmem>>
      %dma_wait3A_1644 = tpu.memref_squeeze %dma_wait3A_1643 : memref<1x128xi32, #tpu.memory_space<vmem>> -> memref<128xi32, #tpu.memory_space<vmem>>
      %dma_wait3A_1645 = arith.constant 0 : i32
      %dma_wait3A_1646 = arith.constant 0 : i32
      %dma_wait3A_1647 = tpu.memref_slice %arg2[%dma_wait3A_1645, %dma_wait3A_1646] : memref<2600000x32xf32, #tpu.memory_space<hbm>> -> memref<2600000x32xf32, #tpu.memory_space<hbm>>
      tpu.wait_indirect_dma semaphore(%arg8 : memref<!tpu.dma_semaphore, #tpu.memory_space<semaphore_mem>>) src(%dma_wait3A_1647 : memref<2600000x32xf32, #tpu.memory_space<hbm>>) dst(%dma_wait3A_1641 : memref<128x32xf32, #tpu.memory_space<vmem>>)
      %dma_wait3A_1648 = arith.constant 6 : i32
      %dma_wait3A_1649 = arith.constant 768 : i32
      %dma_wait3A_1650 = arith.constant 0 : i32
      %dma_wait3A_1651 = tpu.memref_slice %arg7[%dma_wait3A_1649, %dma_wait3A_1650] : memref<1024x32xf32, #tpu.memory_space<vmem>> -> memref<128x32xf32, #tpu.memory_space<vmem>>
      %dma_wait3A_1652 = arith.constant 0 : i32
      %dma_wait3A_1653 = tpu.memref_slice %arg6[%dma_wait3A_1648, %dma_wait3A_1652] : memref<8x128xi32, #tpu.memory_space<vmem>> -> memref<1x128xi32, #tpu.memory_space<vmem>>
      %dma_wait3A_1654 = tpu.memref_squeeze %dma_wait3A_1653 : memref<1x128xi32, #tpu.memory_space<vmem>> -> memref<128xi32, #tpu.memory_space<vmem>>
      %dma_wait3A_1655 = arith.constant 0 : i32
      %dma_wait3A_1656 = arith.constant 0 : i32
      %dma_wait3A_1657 = tpu.memref_slice %arg2[%dma_wait3A_1655, %dma_wait3A_1656] : memref<2600000x32xf32, #tpu.memory_space<hbm>> -> memref<2600000x32xf32, #tpu.memory_space<hbm>>
      tpu.wait_indirect_dma semaphore(%arg8 : memref<!tpu.dma_semaphore, #tpu.memory_space<semaphore_mem>>) src(%dma_wait3A_1657 : memref<2600000x32xf32, #tpu.memory_space<hbm>>) dst(%dma_wait3A_1651 : memref<128x32xf32, #tpu.memory_space<vmem>>)
      %dma_wait3A_1658 = arith.constant 7 : i32
      %dma_wait3A_1659 = arith.constant 896 : i32
      %dma_wait3A_1660 = arith.constant 0 : i32
      %dma_wait3A_1661 = tpu.memref_slice %arg7[%dma_wait3A_1659, %dma_wait3A_1660] : memref<1024x32xf32, #tpu.memory_space<vmem>> -> memref<128x32xf32, #tpu.memory_space<vmem>>
      %dma_wait3A_1662 = arith.constant 0 : i32
      %dma_wait3A_1663 = tpu.memref_slice %arg6[%dma_wait3A_1658, %dma_wait3A_1662] : memref<8x128xi32, #tpu.memory_space<vmem>> -> memref<1x128xi32, #tpu.memory_space<vmem>>
      %dma_wait3A_1664 = tpu.memref_squeeze %dma_wait3A_1663 : memref<1x128xi32, #tpu.memory_space<vmem>> -> memref<128xi32, #tpu.memory_space<vmem>>
      %dma_wait3A_1665 = arith.constant 0 : i32
      %dma_wait3A_1666 = arith.constant 0 : i32
      %dma_wait3A_1667 = tpu.memref_slice %arg2[%dma_wait3A_1665, %dma_wait3A_1666] : memref<2600000x32xf32, #tpu.memory_space<hbm>> -> memref<2600000x32xf32, #tpu.memory_space<hbm>>
      tpu.wait_indirect_dma semaphore(%arg8 : memref<!tpu.dma_semaphore, #tpu.memory_space<semaphore_mem>>) src(%dma_wait3A_1667 : memref<2600000x32xf32, #tpu.memory_space<hbm>>) dst(%dma_wait3A_1661 : memref<128x32xf32, #tpu.memory_space<vmem>>)
      %mul3A_1668 = arith.constant 1024 : i32
      %mul3A_1669 = arith.muli %scan3A_8, %mul3A_1668 : i32
      %add3A_1670 = arith.addi %mul3A_2, %mul3A_1669 : i32
      "tpu.region"() ({
        %run_scoped3A = tpu.sem_alloc : memref<!tpu.dma_semaphore, #tpu.memory_space<semaphore_mem>>
        %dma_start3A_1671 = arith.constant 0 : i32
        %dma_start3A_1672 = tpu.memref_slice %arg4[%add3A_1670, %dma_start3A_1671] : memref<425984x32xf32, #tpu.memory_space<hbm>> -> memref<1024x32xf32, #tpu.memory_space<hbm>>
        %dma_start3A_1673 = arith.constant 0 : i32
        %dma_start3A_1674 = tpu.memref_slice %arg4[%add3A_1670, %dma_start3A_1673] : memref<425984x32xf32, #tpu.memory_space<hbm>> -> memref<1024x32xf32, #tpu.memory_space<hbm>>
        tpu.enqueue_dma source(%arg7 : memref<1024x32xf32, #tpu.memory_space<vmem>>) target(%dma_start3A_1674 : memref<1024x32xf32, #tpu.memory_space<hbm>>) target_semaphore(%run_scoped3A : memref<!tpu.dma_semaphore, #tpu.memory_space<semaphore_mem>>)
        %dma_wait3A_1675 = arith.constant 0 : i32
        %dma_wait3A_1676 = tpu.memref_slice %arg4[%add3A_1670, %dma_wait3A_1675] : memref<425984x32xf32, #tpu.memory_space<hbm>> -> memref<1024x32xf32, #tpu.memory_space<hbm>>
        %dma_wait3A_1677 = arith.constant 0 : i32
        %dma_wait3A_1678 = tpu.memref_slice %arg4[%add3A_1670, %dma_wait3A_1677] : memref<425984x32xf32, #tpu.memory_space<hbm>> -> memref<1024x32xf32, #tpu.memory_space<hbm>>
        tpu.wait_dma2 semaphore(%run_scoped3A : memref<!tpu.dma_semaphore, #tpu.memory_space<semaphore_mem>>) src(%arg7 : memref<1024x32xf32, #tpu.memory_space<vmem>>) dst(%dma_wait3A_1678 : memref<1024x32xf32, #tpu.memory_space<hbm>>)
        tpu.yield
      }) : () -> ()
    }
    %scan3A_7 = arith.constant 13 : i32
    return
  }
}

</mosaic_0001>

<sc_bundles>
// kernel: kernel.3.cloned.1.call-start
scs
__scs_entry_jumppad:
0x0: {  	(pc) =	sbr.rel $0x88, $3  }
0x1: {  	(tag) =	ssettag $0x0;
	lr =	simm.s32 $0x1  }
0x2: {  	[smem:$0x3F9F] =	sst lr;
	_ =	strace $0xD0000000  }
0x3: {  	_ = 	snop  }
0x4: {  	_ = 	snop  }
0x5: {  	_ = 	snop  }
0x6: {  	_ = 	snop  }
0x7: {  	_ = 	snop  }
__scs_overlays_trampoline_lowered:
0x8: {  	[smem:$0x3FAE] =	sst s0  }
0x9: {  	[smem:$0x3FAF] =	sst s1  }
0xa: {  	[smem:$0x3FB0] =	sst s2  }
0xb: {  	[smem:$0x3FB1] =	sst s3  }
0xc: {  	[smem:$0x3FB2] =	sst s4  }
0xd: {  	[smem:$0x3FB3] =	sst s5  }
0xe: {  	[smem:$0x3FB4] =	sst s6  }
0xf: {  	[smem:$0x3FB5] =	sst s7  }
0x10: {  	[smem:$0x3FB6] =	sst s8  }
0x11: {  	[smem:$0x3FB7] =	sst s9;
	s0 =	simm.s32 @!p0 $0x0  }
0x12: {  	s1 =	sld [smem:$0x3F9D];
	s0 =	simm.s32 @p0 $0x1  }
0x13: {  	[smem:$0x3FB8] =	sst s0;
	s0 =	simm.s32 @!p1 $0x0  }
0x14: {  	s2 =	sld [smem:$0x3F9C];
	s0 =	simm.s32 @p1 $0x1  }
0x15: {  	[smem:$0x3FB9] =	sst s0;
	s0 =	simm.s32 @!p2 $0x0  }
0x16: {  	s3 =	sld [smem:$0x3FDB];
	s0 =	simm.s32 @p2 $0x1  }
0x17: {  	s4 =	simm.s32 $0x1BF5;
	[smem:$0x3FBB] =	sst s0  }
0x18: {  	s0 =	sld [smem:$0x3F9E];
	_ =	swait.ge [sflag:s4], $0x0  }
0x19: {  	s7 =	sld [smem:$0x3F9F]  }
0x1a: {  	s8 =	sadd.s32 $0xFFFFE003, lr  }
0x1b: {  	s9 =	sadd.s32 $0xFFFFFEF7, lr;
	s5 =	simm.s32 $0xFFFFFFFF;
	p2 =	slt.u32 s8, $0xFFFFF086  }
0x1c: {  	p1 =	slt.u32 s9, $0xF7A;
	s5 =	simm.s32 @!p2 $0x0  }
0x1d: {  	s5 =	simm.s32 @p1 $0x1;
	p0 =	seq.s32 s7, s2  }
0x1e: {  	s7 =	smul.u32 @!p0 $0xF7A, s2;
	p2 =	seq.s32 @!p0 s5, $0x0  }
0x1f: {  	s9 =	smul.u32 $0xF7A, s1;
	s8 =	simm.s32 @!p0 $0x1BF5;
	p2 =	por !p2, p0  }
0x20: {  	[sflag:s8] =	ssyncset.s32 @!p0 $0xFFFFF086;
	s6 =	sadd.s32 @!p0 s3, s7;
	s7 =	simm.s32 @!p0 $0x108  }
0x21: {  	s3 =	sadd.s32 s3, s9;
	s6 =	sadd.s32 @!p0 $0x88, s6;
	s7 =	simm.s32 @p2 $0x1082  }
0x22: {  	[simem:s7], [sflag:s8] =	dma.local @!p0 [hbm:s6], $0xF7A  }
0x23: {  	s9 =	sor.u32 $0xD0000000, s2;
	s6 =	simm.s32 $0x108;
	_ =	swait.ge @!p0 [sflag:s8], $0x0  }
0x24: {  	s3 =	sadd.s32 $0x88, s3;
	s6 =	simm.s32 @!p1 $0x1082;
	[sflag:s4] =	ssyncset.s32 $0xFFFFF086  }
0x25: {  	[simem:s6], [sflag:s4] =	dma.local [hbm:s3], $0xF7A  }
0x26: {  	[smem:$0x3F9F] =	sst s1;
	(tag) =	ssettag s2;
	_ =	strace s9  }
0x27: {  	s1 =	sld [smem:$0x3FAF]  }
0x28: {  	s2 =	sld [smem:$0x3FB0]  }
0x29: {  	s4 =	sld [smem:$0x3FB2]  }
0x2a: {  	p0 =	seq.s32 s5, $0x0;
	s5 =	sld [smem:$0x3FB3]  }
0x2b: {  	s6 =	sld [smem:$0x3FB4]  }
0x2c: {  	s7 =	sld [smem:$0x3FB5]  }
0x2d: {  	s3 =	simm.s32 $0x108;
	s8 =	sld [smem:$0x3FB6]  }
0x2e: {  	s3 =	simm.s32 @!p0 $0x1082;
	s9 =	sld [smem:$0x3FB7]  }
0x2f: {  	lr =	sadd.s32 s0, s3;
	s0 =	sld [smem:$0x3FAE]  }
0x30: {  	s3 =	sld [smem:$0x3FB1]  }
0x31: {  	[smem:$0x3FBA] =	sst s10  }
0x32: {  	s10 =	sld [smem:$0x3FB8];
	_ =	sdelay $0x3  }
0x33: {  	p0 =	seq.s32 s10, $0x1;
	s10 =	sld [smem:$0x3FBA];
	_ =	sdelay $0x3  }
0x34: {  	[smem:$0x3FBA] =	sst s10  }
0x35: {  	s10 =	sld [smem:$0x3FB9];
	_ =	sdelay $0x3  }
0x36: {  	p1 =	seq.s32 s10, $0x1;
	s10 =	sld [smem:$0x3FBA];
	_ =	sdelay $0x3  }
0x37: {  	[smem:$0x3FBA] =	sst s10  }
0x38: {  	s10 =	sld [smem:$0x3FBB]  }
0x39: {  	_ = 	snop;
	(pc) =	sbr.ind lr, $3  }
0x3a: {  	_ = 	snop  }
0x3b: {  	_ = 	snop  }
0x3c: {  	p2 =	seq.s32 s10, $0x1;
	s10 =	sld [smem:$0x3FBA]  }
0x3d: {  	_ =	shalt  }
0x3e: {  	_ =	shalt  }
0x3f: {  	_ =	shalt  }
0x40: {  	_ =	shalt  }
0x41: {  	_ =	shalt  }
0x42: {  	_ =	shalt  }
0x43: {  	_ =	shalt  }
0x44: {  	_ =	shalt  }
0x45: {  	_ =	shalt  }
0x46: {  	_ =	shalt  }
0x47: {  	_ =	shalt  }
0x48: {  	_ =	shalt  }
0x49: {  	_ =	shalt  }
0x4a: {  	_ =	shalt  }
0x4b: {  	_ =	shalt  }
0x4c: {  	_ =	shalt  }
0x4d: {  	_ =	shalt  }
0x4e: {  	_ =	shalt  }
0x4f: {  	_ =	shalt  }
0x50: {  	_ =	shalt  }
0x51: {  	_ =	shalt  }
0x52: {  	_ =	shalt  }
0x53: {  	_ =	shalt  }
0x54: {  	_ =	shalt  }
0x55: {  	_ =	shalt  }
0x56: {  	_ =	shalt  }
0x57: {  	_ =	shalt  }
0x58: {  	_ =	shalt  }
0x59: {  	_ =	shalt  }
0x5a: {  	_ =	shalt  }
0x5b: {  	_ =	shalt  }
0x5c: {  	_ =	shalt  }
0x5d: {  	_ =	shalt  }
0x5e: {  	_ =	shalt  }
0x5f: {  	_ =	shalt  }
0x60: {  	_ =	shalt  }
0x61: {  	_ =	shalt  }
0x62: {  	_ =	shalt  }
0x63: {  	_ =	shalt  }
0x64: {  	_ =	shalt  }
0x65: {  	_ =	shalt  }
0x66: {  	_ =	shalt  }
0x67: {  	_ =	shalt  }
0x68: {  	_ =	shalt  }
0x69: {  	_ =	shalt  }
0x6a: {  	_ =	shalt  }
0x6b: {  	_ =	shalt  }
0x6c: {  	_ =	shalt  }
0x6d: {  	_ =	shalt  }
0x6e: {  	_ =	shalt  }
0x6f: {  	_ =	shalt  }
0x70: {  	_ =	shalt  }
0x71: {  	_ =	shalt  }
0x72: {  	_ =	shalt  }
0x73: {  	_ =	shalt  }
0x74: {  	_ =	shalt  }
0x75: {  	_ =	shalt  }
0x76: {  	_ =	shalt  }
0x77: {  	_ =	shalt  }
0x78: {  	_ =	shalt  }
0x79: {  	_ =	shalt  }
0x7a: {  	_ =	shalt  }
0x7b: {  	_ =	shalt  }
0x7c: {  	_ =	shalt  }
0x7d: {  	_ =	shalt  }
0x7e: {  	_ =	shalt  }
0x7f: {  	_ =	shalt  }
0x80: {  	_ =	shalt  }
0x81: {  	_ =	shalt  }
0x82: {  	_ =	shalt  }
0x83: {  	_ =	shalt  }
0x84: {  	_ =	shalt  }
0x85: {  	_ =	shalt  }
0x86: {  	_ =	shalt  }
0x87: {  	_ =	shalt  }
.Lfunc_end0:
.L_simem_size_0:
called_computation.1_lowered:
.L_overlay_start_0:
0x88: {  	s2 =	sld [smem:$0x3FD9]  }
0x89: {  	s3 =	sld [smem:$0x3FFE];
	_ =	sdelay $0x1  }
0x8a: {  	s1 =	srdreg.scid  }
0x8b: {  	s0 =	sand.u32 $0x1, s1  }
0x8c: {  	s17 =	sshll.u32 s0, $0xA;
	s2 =	sadd.s32 s3, s2  }
0x8d: {  	s2 =	sadd.s32 s2, s17  }
0x8e: {  	[smem:$0x3FC6] =	sst s2  }
0x8f: {  	_ = 	snop  }
0x90: {  	s2 =	sld [smem:$0x3FD0];
	(tm) =	ssettm $0x1  }
0x91: {  	s18 =	sld [smem:$0x3FFB];
	_ =	sdelay $0x3  }
0x92: {  	_ =	strace s18  }
0x93: {  	s3 =	sld [smem:$0x3FFC];
	_ =	sdelay $0x3  }
0x94: {  	_ =	strace s3  }
0x95: {  	s3 =	sld [smem:$0x3FFD];
	_ =	sdelay $0x3  }
0x96: {  	_ =	strace s3  }
0x97: {  	_ =	strace $0x8FFFFFFF  }
0x98: {  	s19 =	sld [smem:$0x3FDB];
	_ =	sdelay $0x1  }
0x99: {  	s4 =	simm.s32 $_scs_section_size  }
0x9a: {  	s5 =	simm.s32 $_size__tile_overlayer_lowered;
	s6 =	simm.s32 $_tile_overlayer_lowered  }
0x9b: {  	s22 =	simm.s32 $0x1BFF;
	s21 =	sshll.u32 s6, $0x1;
	s3 =	sadd.s32 s4, s19  }
0x9c: {  	s7 =	simm.s32 $0x0;
	s20 =	sshll.u32 s5, $0x1;
	s5 =	sadd.s32 s21, s3  }
0x9d: {  	[timem:s7], [sflag:s22] =	dma.local [hbm:s5], s20  }
0x9e: {  	_ =	swait.ge [sflag:s22], s20  }
0x9f: {  	s4 =	ssub.s32 $0x0, s20;
	[sflag:s22] =	ssyncset.done $0x0  }
0xa0: {  	[sflag:s22] =	ssyncadd.s32 s4;
	_ =	sdelay $0x1  }
0xa1: {  	s23 =	simm.s32 $0x1B8B  }
0xa2: {  	_ =	swait.ge [sflag:s23], $0x1  }
0xa3: {  	[sflag:s23] =	ssyncset.done $0x0  }
0xa4: {  	s25 =	simm.s32 $0x1B8E;
	s24 =	sld [smem:$0x3FFE];
	[sflag:s23] =	ssyncadd.s32 $0xFFFFFFFF  }
0xa5: {  	s26 =	simm.s32 $execute0_lowered;
	[smem:$0x3FD2] =	sst s25  }
0xa6: {  	s5 =	sshll.u32 s26, $0x1;
	_ =	strace $0x80000046;
	[dreg:$0x1] =	wrdreg $0xFFFFFFFF  }
0xa7: {  	s28 =	simm.s32 $_size_execute0_lowered;
	s3 =	sadd.s32 s3, s5;
	[dreg:$0x0] =	wrdreg $0x0  }
0xa8: {  	s5 =	sshll.u32 s28, $0x1;
	[dreg:$0x2] =	wrdreg s3  }
0xa9: {  	[dreg:$0x3] =	wrdreg s5  }
0xaa: {  	[dreg:$0x4] =	wrdreg $0xC0  }
0xab: {  	_ =	task [dreg:s7], $0x5FFFF  }
0xac: {  	[dreg:$0x1] =	wrdreg $0xFFFFFFFF  }
0xad: {  	[dreg:$0x0] =	wrdreg $0x60  }
0xae: {  	[dreg:$0x2] =	wrdreg s24  }
0xaf: {  	[dreg:$0x3] =	wrdreg s2  }
0xb0: {  	[dreg:$0x4] =	wrdreg $0x9  }
0xb1: {  	_ =	task.clear_ibuf [dreg:s7], $0x5FFFF;
	_ =	strace $0x90000046  }
0xb2: {  	s29 =	simm.s32 $0x9;
	_ =	strace $0x80000048  }
0xb3: {  	_ =	swait.ge [sflag:s29], $0x1  }
0xb4: {  	[sflag:s29] =	ssyncadd.s32 $0xFFFFFFFF  }
0xb5: {  	_ =	strace $0x90000048  }
0xb6: {  	_ =	sfence  }
0xb7: {  	s30 =	sld [smem:$0x0];
	_ =	sdelay $0x2  }
0xb8: {  	s31 =	sshll.u32 s1, $0xD;
	s1 =	sshrl.u32 s1, $0x2  }
0xb9: {  	s3 =	sand.u32 $0x4000, s31;
	s1 =	sadd.s32 s1, s30  }
0xba: {  	s0 =	sor.u32 s3, s0;
	s1 =	sshll.u32 s1, $0x11  }
0xbb: {  	s0 =	sor.u32 s1, s0  }
0xbc: {  	s0 =	sadd.s32 $0x8F2B, s0  }
0xbd: {  	[sflag:s0] =	ssyncadd.remote.s32 $0x1  }
0xbe: {  	_ =	sfence.sel $0xFFFF  }
0xbf: {  	[dreg:$0x0] =	wrdreg $0xFFFFFFFF;
	(pc) =	sbr.abs _section_cstart, $3  }
0xc0: {  	[dreg:$0x1] =	wrdreg $0xFFFFFFFF  }
0xc1: {  	_ =	task.clear_ibuf [dreg:s7], $0x2FFFF;
	_ =	strace $0x9FFFFFFF  }
0xc2: {  	(tm) =	ssettm $0x7FFFFFFF  }
0xc3: {  	_ =	shalt  }
tec
execute0_lowered:
.L_overlay_start_1:
0x0: {  	(tag) =	ssettag $0x1  }
0x1: {  	s4 =	rddreg [dreg:$0x0]  }
0x2: {  	s6 =	rddreg [dreg:$0x1]  }
0x3: {  	s0 =	rddreg [dreg:$0x2];
	s2 =	simm.s32 $0x0  }
0x4: {  	s8 =	simm.s32 $0x3400;
	[smem:$0x7FF] =	sst s2  }
0x5: {  	s16 =	simm.s32 $0x3480;
	_ =	strace $0x80000047;
	[dreg:$0x3] =	wrdreg s8  }
0x6: {  	s17 =	simm.s32 $0x4800;
	[dreg:$0x4] =	wrdreg s16  }
0x7: {  	s19 =	simm.s32 $0x3500;
	[dreg:$0x5] =	wrdreg s17  }
0x8: {  	s20 =	simm.s32 $0x5800;
	[dreg:$0x6] =	wrdreg s19  }
0x9: {  	s21 =	simm.s32 $0x3580;
	[dreg:$0x7] =	wrdreg s20  }
0xa: {  	s1 =	srdreg.scid;
	s22 =	simm.s32 $0x6800;
	[dreg:$0x8] =	wrdreg s21  }
0xb: {  	s23 =	simm.s32 $0x3600;
	s24 =	simm.s32 $0x7800;
	[dreg:$0x9] =	wrdreg s22  }
0xc: {  	s26 =	simm.s32 $0x3680;
	s28 =	simm.s32 $0x8800;
	[dreg:$0xa] =	wrdreg s23  }
0xd: {  	s29 =	simm.s32 $0x3700;
	s30 =	simm.s32 $0x9800;
	[dreg:$0xb] =	wrdreg s24  }
0xe: {  	s10 =	simm.s32 $0x3780;
	s31 =	simm.s32 $0xA800;
	[dreg:$0xc] =	wrdreg s26  }
0xf: {  	s11 =	simm.s32 $0x0;
	s7 =	sand.u32 $0x1, s1;
	[dreg:$0xd] =	wrdreg s28  }
0x10: {  	s1 =	stileid.u32;
	s3 =	sshll.u32 s7, $0x4;
	[dreg:$0xe] =	wrdreg s29  }
0x11: {  	s18 =	ssub.s32 $0x2, s7;
	s7 =	smul.u32 $0xD0000, s7;
	[dreg:$0xf] =	wrdreg s30  }
0x12: {  	s25 =	smul.u32 $0xD000, s1;
	[dreg:$0x10] =	wrdreg s10;
	s3 =	sor.u32 s1, s3  }
0x13: {  	[dreg:$0x11] =	wrdreg s31;
	s9 =	sshrl.u32 s18, $0x1;
	s5 =	smul.u32 $0x3400, s3  }
0x14: {  	s10 =	simm.s32 $0x1;
	s3 =	sadd.s32 $0x27ACE00, s4;
	s8 =	ssub.s32 s18, s9  }
0x15: {  	s6 =	sadd.s32 s7, s6;
	s7 =	simm.s32 $0x2;
	s5 =	sshrl.u32 s5, $0x3  }
0x16: {  	s9 =	simm.s32 $0x3800;
	s6 =	sadd.s32 s25, s6;
	s4 =	sadd.s32 s5, s4  }
0x17: {  	v0 =	vlaneseq.u32;
	s5 =	smax.u32 s8, $0x1;
	s8 =	simm.s32 $0x80;
	s4 =	sadd.s32 $0xA00, s4  }
.LBB2_1:
0x18: {  	[tilespmem:s2], [sflag:$0x2] =	stream.linear.gather [hbm4b:s4+s2], $0x3400, $0x38;
	[tilespmem:$0xB800] =	vst v63  }
0x19: {  	_ =	swait.ge [sflag:s7], $0x3400  }
0x1a: {  	s12 =	simm.s32 $0x200;
	[sflag:s7] =	ssyncset.done $0x0  }
0x1b: {  	s13 =	smov.u32 s6;
	s14 =	simm.s32 $0x0;
	[sflag:s7] =	ssyncadd.s32 $0xFFFFCC00  }
.LBB2_2:
0x1c: {  	v1 =	vor.u32 s14, v0  }
0x1d: {  	v2 =	vmulhi.u32 $0x4EC4EC4F, v1;
	_ =	sdelay $0x1  }
0x1e: {  	v2 =	vshrl.u32 v2, $0x3  }
0x1f: {  	v3 =	vld [tilespmem:s12+$0xFFFFFE00];
	v2 =	vmul.u32 $0x1A, v2;
	_ =	sdelay $0x1  }
0x20: {  	s15 =	sadd.s32 $0x10, s14;
	v1 =	vsub.s32 v1, v2  }
0x21: {  	v2 =	vor.u32 s15, v0;
	v1 =	vmul.u32 $0x186A0, v1  }
0x22: {  	v4 =	vmulhi.u32 $0x4EC4EC4F, v2  }
0x23: {  	v1 =	vadd.s32 v1, v3  }
0x24: {  	[tilespmem:$0x3400] =	vst v1;
	v1 =	vshrl.u32 v4, $0x3  }
0x25: {  	v1 =	vmul.u32 $0x1A, v1;
	v3 =	vld [tilespmem:s12+$0xFFFFFE10];
	_ =	sdelay $0x1  }
0x26: {  	s17 =	sadd.s32 $0x20, s14;
	v1 =	vsub.s32 v2, v1  }
0x27: {  	v2 =	vor.u32 s17, v0;
	v1 =	vmul.u32 $0x186A0, v1  }
0x28: {  	v58 =	vmulhi.u32 $0x4EC4EC4F, v2  }
0x29: {  	v1 =	vadd.s32 v1, v3  }
0x2a: {  	[tilespmem:$0x3410] =	vst v1;
	v1 =	vshrl.u32 v58, $0x3  }
0x2b: {  	v1 =	vmul.u32 $0x1A, v1;
	v3 =	vld [tilespmem:s12+$0xFFFFFE20];
	_ =	sdelay $0x1  }
0x2c: {  	s18 =	sadd.s32 $0x30, s14;
	v1 =	vsub.s32 v2, v1  }
0x2d: {  	v2 =	vor.u32 s18, v0;
	v1 =	vmul.u32 $0x186A0, v1  }
0x2e: {  	v59 =	vmulhi.u32 $0x4EC4EC4F, v2  }
0x2f: {  	v1 =	vadd.s32 v1, v3  }
0x30: {  	[tilespmem:$0x3420] =	vst v1;
	v1 =	vshrl.u32 v59, $0x3  }
0x31: {  	v1 =	vmul.u32 $0x1A, v1;
	v3 =	vld [tilespmem:s12+$0xFFFFFE30];
	_ =	sdelay $0x1  }
0x32: {  	s19 =	sadd.s32 $0x40, s14;
	v1 =	vsub.s32 v2, v1  }
0x33: {  	v2 =	vor.u32 s19, v0;
	v1 =	vmul.u32 $0x186A0, v1  }
0x34: {  	v60 =	vmulhi.u32 $0x4EC4EC4F, v2  }
0x35: {  	v1 =	vadd.s32 v1, v3  }
0x36: {  	[tilespmem:$0x3430] =	vst v1;
	v1 =	vshrl.u32 v60, $0x3  }
0x37: {  	v1 =	vmul.u32 $0x1A, v1;
	v3 =	vld [tilespmem:s12+$0xFFFFFE40];
	_ =	sdelay $0x1  }
0x38: {  	s20 =	sadd.s32 $0x50, s14;
	v1 =	vsub.s32 v2, v1  }
0x39: {  	v2 =	vor.u32 s20, v0;
	v1 =	vmul.u32 $0x186A0, v1  }
0x3a: {  	v61 =	vmulhi.u32 $0x4EC4EC4F, v2  }
0x3b: {  	v1 =	vadd.s32 v1, v3  }
0x3c: {  	[tilespmem:$0x3440] =	vst v1;
	v1 =	vshrl.u32 v61, $0x3  }
0x3d: {  	v1 =	vmul.u32 $0x1A, v1;
	v3 =	vld [tilespmem:s12+$0xFFFFFE50];
	_ =	sdelay $0x1  }
0x3e: {  	s21 =	sadd.s32 $0x60, s14;
	v1 =	vsub.s32 v2, v1  }
0x3f: {  	v2 =	vor.u32 s21, v0;
	v1 =	vmul.u32 $0x186A0, v1  }
0x40: {  	v62 =	vmulhi.u32 $0x4EC4EC4F, v2  }
0x41: {  	v1 =	vadd.s32 v1, v3  }
0x42: {  	[tilespmem:$0x3450] =	vst v1;
	v1 =	vshrl.u32 v62, $0x3  }
0x43: {  	v1 =	vmul.u32 $0x1A, v1;
	v3 =	vld [tilespmem:s12+$0xFFFFFE60];
	_ =	sdelay $0x1  }
0x44: {  	s22 =	sadd.s32 $0x70, s14;
	v1 =	vsub.s32 v2, v1  }
0x45: {  	v2 =	vor.u32 s22, v0;
	v1 =	vmul.u32 $0x186A0, v1  }
0x46: {  	v63 =	vmulhi.u32 $0x4EC4EC4F, v2  }
0x47: {  	v1 =	vadd.s32 v1, v3  }
0x48: {  	[tilespmem:$0x3460] =	vst v1;
	v1 =	vshrl.u32 v63, $0x3  }
0x49: {  	v1 =	vmul.u32 $0x1A, v1;
	v3 =	vld [tilespmem:s12+$0xFFFFFE70];
	_ =	sdelay $0x1  }
0x4a: {  	s23 =	sadd.s32 $0x80, s14;
	v1 =	vsub.s32 v2, v1  }
0x4b: {  	v2 =	vor.u32 s23, v0;
	v1 =	vmul.u32 $0x186A0, v1  }
0x4c: {  	v8 =	vmulhi.u32 $0x4EC4EC4F, v2  }
0x4d: {  	v1 =	vadd.s32 v1, v3  }
0x4e: {  	[tilespmem:$0x3470] =	vst v1;
	v1 =	vshrl.u32 v8, $0x3  }
0x4f: {  	v1 =	vmul.u32 $0x1A, v1;
	v3 =	vld [tilespmem:s12+$0xFFFFFE80];
	_ =	sdelay $0x1  }
0x50: {  	s24 =	sadd.s32 $0x90, s14;
	v1 =	vsub.s32 v2, v1  }
0x51: {  	v2 =	vor.u32 s24, v0;
	v1 =	vmul.u32 $0x186A0, v1  }
0x52: {  	v9 =	vmulhi.u32 $0x4EC4EC4F, v2  }
0x53: {  	v1 =	vadd.s32 v1, v3  }
0x54: {  	[tilespmem:$0x3480] =	vst v1;
	v1 =	vshrl.u32 v9, $0x3  }
0x55: {  	v1 =	vmul.u32 $0x1A, v1;
	v3 =	vld [tilespmem:s12+$0xFFFFFE90];
	_ =	sdelay $0x1  }
0x56: {  	s25 =	sadd.s32 $0xA0, s14;
	v1 =	vsub.s32 v2, v1  }
0x57: {  	v2 =	vor.u32 s25, v0;
	v1 =	vmul.u32 $0x186A0, v1  }
0x58: {  	v10 =	vmulhi.u32 $0x4EC4EC4F, v2  }
0x59: {  	v1 =	vadd.s32 v1, v3  }
0x5a: {  	[tilespmem:$0x3490] =	vst v1;
	v1 =	vshrl.u32 v10, $0x3  }
0x5b: {  	v1 =	vmul.u32 $0x1A, v1;
	v3 =	vld [tilespmem:s12+$0xFFFFFEA0];
	_ =	sdelay $0x1  }
0x5c: {  	s26 =	sadd.s32 $0xB0, s14;
	v1 =	vsub.s32 v2, v1  }
0x5d: {  	v2 =	vor.u32 s26, v0;
	v1 =	vmul.u32 $0x186A0, v1  }
0x5e: {  	v11 =	vmulhi.u32 $0x4EC4EC4F, v2  }
0x5f: {  	v1 =	vadd.s32 v1, v3  }
0x60: {  	[tilespmem:$0x34A0] =	vst v1;
	v1 =	vshrl.u32 v11, $0x3  }
0x61: {  	v1 =	vmul.u32 $0x1A, v1;
	v3 =	vld [tilespmem:s12+$0xFFFFFEB0];
	_ =	sdelay $0x1  }
0x62: {  	s28 =	sadd.s32 $0xC0, s14;
	v1 =	vsub.s32 v2, v1  }
0x63: {  	v2 =	vor.u32 s28, v0;
	v1 =	vmul.u32 $0x186A0, v1  }
0x64: {  	v12 =	vmulhi.u32 $0x4EC4EC4F, v2  }
0x65: {  	v1 =	vadd.s32 v1, v3  }
0x66: {  	[tilespmem:$0x34B0] =	vst v1;
	v1 =	vshrl.u32 v12, $0x3  }
0x67: {  	v1 =	vmul.u32 $0x1A, v1;
	v3 =	vld [tilespmem:s12+$0xFFFFFEC0];
	_ =	sdelay $0x1  }
0x68: {  	s29 =	sadd.s32 $0xD0, s14;
	v1 =	vsub.s32 v2, v1  }
0x69: {  	v2 =	vor.u32 s29, v0;
	v1 =	vmul.u32 $0x186A0, v1  }
0x6a: {  	v13 =	vmulhi.u32 $0x4EC4EC4F, v2  }
0x6b: {  	v1 =	vadd.s32 v1, v3  }
0x6c: {  	[tilespmem:$0x34C0] =	vst v1;
	v1 =	vshrl.u32 v13, $0x3  }
0x6d: {  	v1 =	vmul.u32 $0x1A, v1;
	v3 =	vld [tilespmem:s12+$0xFFFFFED0];
	_ =	sdelay $0x1  }
0x6e: {  	s30 =	sadd.s32 $0xE0, s14;
	v1 =	vsub.s32 v2, v1  }
0x6f: {  	v2 =	vor.u32 s30, v0;
	v1 =	vmul.u32 $0x186A0, v1  }
0x70: {  	v14 =	vmulhi.u32 $0x4EC4EC4F, v2  }
0x71: {  	v1 =	vadd.s32 v1, v3  }
0x72: {  	[tilespmem:$0x34D0] =	vst v1;
	v1 =	vshrl.u32 v14, $0x3  }
0x73: {  	v1 =	vmul.u32 $0x1A, v1;
	v3 =	vld [tilespmem:s12+$0xFFFFFEE0];
	_ =	sdelay $0x1  }
0x74: {  	s31 =	sadd.s32 $0xF0, s14;
	v1 =	vsub.s32 v2, v1  }
0x75: {  	v2 =	vor.u32 s31, v0;
	v1 =	vmul.u32 $0x186A0, v1  }
0x76: {  	v15 =	vmulhi.u32 $0x4EC4EC4F, v2  }
0x77: {  	v1 =	vadd.s32 v1, v3  }
0x78: {  	[tilespmem:$0x34E0] =	vst v1;
	v1 =	vshrl.u32 v15, $0x3  }
0x79: {  	v1 =	vmul.u32 $0x1A, v1;
	v3 =	vld [tilespmem:s12+$0xFFFFFEF0];
	_ =	sdelay $0x1  }
0x7a: {  	s16 =	sadd.s32 $0x100, s14;
	v1 =	vsub.s32 v2, v1  }
0x7b: {  	v2 =	vor.u32 s16, v0;
	v1 =	vmul.u32 $0x186A0, v1  }
0x7c: {  	v16 =	vmulhi.u32 $0x4EC4EC4F, v2  }
0x7d: {  	v1 =	vadd.s32 v1, v3  }
0x7e: {  	[tilespmem:$0x34F0] =	vst v1;
	v1 =	vshrl.u32 v16, $0x3  }
0x7f: {  	v1 =	vmul.u32 $0x1A, v1;
	v3 =	vld [tilespmem:s12+$0xFFFFFF00];
	_ =	sdelay $0x1  }
0x80: {  	s17 =	sadd.s32 $0x110, s14;
	v1 =	vsub.s32 v2, v1  }
0x81: {  	v2 =	vor.u32 s17, v0;
	v1 =	vmul.u32 $0x186A0, v1  }
0x82: {  	v17 =	vmulhi.u32 $0x4EC4EC4F, v2  }
0x83: {  	v1 =	vadd.s32 v1, v3  }
0x84: {  	[tilespmem:$0x3500] =	vst v1;
	v1 =	vshrl.u32 v17, $0x3  }
0x85: {  	v1 =	vmul.u32 $0x1A, v1;
	v3 =	vld [tilespmem:s12+$0xFFFFFF10];
	_ =	sdelay $0x1  }
0x86: {  	s18 =	sadd.s32 $0x120, s14;
	v1 =	vsub.s32 v2, v1  }
0x87: {  	v2 =	vor.u32 s18, v0;
	v1 =	vmul.u32 $0x186A0, v1  }
0x88: {  	v18 =	vmulhi.u32 $0x4EC4EC4F, v2  }
0x89: {  	v1 =	vadd.s32 v1, v3  }
0x8a: {  	[tilespmem:$0x3510] =	vst v1;
	v1 =	vshrl.u32 v18, $0x3  }
0x8b: {  	v1 =	vmul.u32 $0x1A, v1;
	v3 =	vld [tilespmem:s12+$0xFFFFFF20];
	_ =	sdelay $0x1  }
0x8c: {  	s19 =	sadd.s32 $0x130, s14;
	v1 =	vsub.s32 v2, v1  }
0x8d: {  	v2 =	vor.u32 s19, v0;
	v1 =	vmul.u32 $0x186A0, v1  }
0x8e: {  	v19 =	vmulhi.u32 $0x4EC4EC4F, v2  }
0x8f: {  	v1 =	vadd.s32 v1, v3  }
0x90: {  	[tilespmem:$0x3520] =	vst v1;
	v1 =	vshrl.u32 v19, $0x3  }
0x91: {  	v1 =	vmul.u32 $0x1A, v1;
	v3 =	vld [tilespmem:s12+$0xFFFFFF30];
	_ =	sdelay $0x1  }
0x92: {  	s20 =	sadd.s32 $0x140, s14;
	v1 =	vsub.s32 v2, v1  }
0x93: {  	v2 =	vor.u32 s20, v0;
	v1 =	vmul.u32 $0x186A0, v1  }
0x94: {  	v20 =	vmulhi.u32 $0x4EC4EC4F, v2  }
0x95: {  	v1 =	vadd.s32 v1, v3  }
0x96: {  	[tilespmem:$0x3530] =	vst v1;
	v1 =	vshrl.u32 v20, $0x3  }
0x97: {  	v1 =	vmul.u32 $0x1A, v1;
	v3 =	vld [tilespmem:s12+$0xFFFFFF40];
	_ =	sdelay $0x1  }
0x98: {  	s21 =	sadd.s32 $0x150, s14;
	v1 =	vsub.s32 v2, v1  }
0x99: {  	v2 =	vor.u32 s21, v0;
	v1 =	vmul.u32 $0x186A0, v1  }
0x9a: {  	v21 =	vmulhi.u32 $0x4EC4EC4F, v2  }
0x9b: {  	v1 =	vadd.s32 v1, v3  }
0x9c: {  	[tilespmem:$0x3540] =	vst v1;
	v1 =	vshrl.u32 v21, $0x3  }
0x9d: {  	v1 =	vmul.u32 $0x1A, v1;
	v3 =	vld [tilespmem:s12+$0xFFFFFF50];
	_ =	sdelay $0x1  }
0x9e: {  	s22 =	sadd.s32 $0x160, s14;
	v1 =	vsub.s32 v2, v1  }
0x9f: {  	v2 =	vor.u32 s22, v0;
	v1 =	vmul.u32 $0x186A0, v1  }
0xa0: {  	v22 =	vmulhi.u32 $0x4EC4EC4F, v2  }
0xa1: {  	v1 =	vadd.s32 v1, v3  }
0xa2: {  	[tilespmem:$0x3550] =	vst v1;
	v1 =	vshrl.u32 v22, $0x3  }
0xa3: {  	v1 =	vmul.u32 $0x1A, v1;
	v3 =	vld [tilespmem:s12+$0xFFFFFF60];
	_ =	sdelay $0x1  }
0xa4: {  	s23 =	sadd.s32 $0x170, s14;
	v1 =	vsub.s32 v2, v1  }
0xa5: {  	v2 =	vor.u32 s23, v0;
	v1 =	vmul.u32 $0x186A0, v1  }
0xa6: {  	v23 =	vmulhi.u32 $0x4EC4EC4F, v2  }
0xa7: {  	v1 =	vadd.s32 v1, v3  }
0xa8: {  	[tilespmem:$0x3560] =	vst v1;
	v1 =	vshrl.u32 v23, $0x3  }
0xa9: {  	v1 =	vmul.u32 $0x1A, v1;
	v3 =	vld [tilespmem:s12+$0xFFFFFF70];
	_ =	sdelay $0x1  }
0xaa: {  	s24 =	sadd.s32 $0x180, s14;
	v1 =	vsub.s32 v2, v1  }
0xab: {  	v2 =	vor.u32 s24, v0;
	v1 =	vmul.u32 $0x186A0, v1  }
0xac: {  	v24 =	vmulhi.u32 $0x4EC4EC4F, v2  }
0xad: {  	v1 =	vadd.s32 v1, v3  }
0xae: {  	[tilespmem:$0x3570] =	vst v1;
	v1 =	vshrl.u32 v24, $0x3  }
0xaf: {  	v1 =	vmul.u32 $0x1A, v1;
	v3 =	vld [tilespmem:s12+$0xFFFFFF80];
	_ =	sdelay $0x1  }
0xb0: {  	s25 =	sadd.s32 $0x190, s14;
	v1 =	vsub.s32 v2, v1  }
0xb1: {  	v2 =	vor.u32 s25, v0;
	v1 =	vmul.u32 $0x186A0, v1  }
0xb2: {  	v25 =	vmulhi.u32 $0x4EC4EC4F, v2  }
0xb3: {  	v1 =	vadd.s32 v1, v3  }
0xb4: {  	[tilespmem:$0x3580] =	vst v1;
	v1 =	vshrl.u32 v25, $0x3  }
0xb5: {  	v1 =	vmul.u32 $0x1A, v1;
	v3 =	vld [tilespmem:s12+$0xFFFFFF90];
	_ =	sdelay $0x1  }
0xb6: {  	s26 =	sadd.s32 $0x1A0, s14;
	v1 =	vsub.s32 v2, v1  }
0xb7: {  	v2 =	vor.u32 s26, v0;
	v1 =	vmul.u32 $0x186A0, v1  }
0xb8: {  	v26 =	vmulhi.u32 $0x4EC4EC4F, v2  }
0xb9: {  	v1 =	vadd.s32 v1, v3  }
0xba: {  	[tilespmem:$0x3590] =	vst v1;
	v1 =	vshrl.u32 v26, $0x3  }
0xbb: {  	v1 =	vmul.u32 $0x1A, v1;
	v3 =	vld [tilespmem:s12+$0xFFFFFFA0];
	_ =	sdelay $0x1  }
0xbc: {  	s28 =	sadd.s32 $0x1B0, s14;
	v1 =	vsub.s32 v2, v1  }
0xbd: {  	v2 =	vor.u32 s28, v0;
	v1 =	vmul.u32 $0x186A0, v1  }
0xbe: {  	v27 =	vmulhi.u32 $0x4EC4EC4F, v2  }
0xbf: {  	v1 =	vadd.s32 v1, v3  }
0xc0: {  	[tilespmem:$0x35A0] =	vst v1;
	v1 =	vshrl.u32 v27, $0x3  }
0xc1: {  	v1 =	vmul.u32 $0x1A, v1;
	v3 =	vld [tilespmem:s12+$0xFFFFFFB0];
	_ =	sdelay $0x1  }
0xc2: {  	s29 =	sadd.s32 $0x1C0, s14;
	v1 =	vsub.s32 v2, v1  }
0xc3: {  	v2 =	vor.u32 s29, v0;
	v1 =	vmul.u32 $0x186A0, v1  }
0xc4: {  	v28 =	vmulhi.u32 $0x4EC4EC4F, v2  }
0xc5: {  	v1 =	vadd.s32 v1, v3  }
0xc6: {  	[tilespmem:$0x35B0] =	vst v1;
	v1 =	vshrl.u32 v28, $0x3  }
0xc7: {  	v1 =	vmul.u32 $0x1A, v1;
	v3 =	vld [tilespmem:s12+$0xFFFFFFC0];
	_ =	sdelay $0x1  }
0xc8: {  	s30 =	sadd.s32 $0x1D0, s14;
	v1 =	vsub.s32 v2, v1  }
0xc9: {  	v2 =	vor.u32 s30, v0;
	v1 =	vmul.u32 $0x186A0, v1  }
0xca: {  	v29 =	vmulhi.u32 $0x4EC4EC4F, v2  }
0xcb: {  	v1 =	vadd.s32 v1, v3  }
0xcc: {  	[tilespmem:$0x35C0] =	vst v1;
	v1 =	vshrl.u32 v29, $0x3  }
0xcd: {  	v1 =	vmul.u32 $0x1A, v1;
	v3 =	vld [tilespmem:s12+$0xFFFFFFD0];
	_ =	sdelay $0x1  }
0xce: {  	s31 =	sadd.s32 $0x1E0, s14;
	v1 =	vsub.s32 v2, v1  }
0xcf: {  	v2 =	vor.u32 s31, v0;
	v1 =	vmul.u32 $0x186A0, v1  }
0xd0: {  	v30 =	vmulhi.u32 $0x4EC4EC4F, v2  }
0xd1: {  	v1 =	vadd.s32 v1, v3  }
0xd2: {  	[tilespmem:$0x35D0] =	vst v1;
	v1 =	vshrl.u32 v30, $0x3  }
0xd3: {  	v1 =	vmul.u32 $0x1A, v1;
	v3 =	vld [tilespmem:s12+$0xFFFFFFE0];
	_ =	sdelay $0x1  }
0xd4: {  	s16 =	sadd.s32 $0x1F0, s14;
	v1 =	vsub.s32 v2, v1  }
0xd5: {  	v2 =	vor.u32 s16, v0;
	v1 =	vmul.u32 $0x186A0, v1  }
0xd6: {  	v31 =	vmulhi.u32 $0x4EC4EC4F, v2  }
0xd7: {  	v1 =	vadd.s32 v1, v3  }
0xd8: {  	[tilespmem:$0x35E0] =	vst v1;
	v1 =	vshrl.u32 v31, $0x3  }
0xd9: {  	v1 =	vmul.u32 $0x1A, v1;
	v3 =	vld [tilespmem:s12+$0xFFFFFFF0];
	_ =	sdelay $0x1  }
0xda: {  	s17 =	sadd.s32 $0x200, s14;
	v1 =	vsub.s32 v2, v1  }
0xdb: {  	v2 =	vor.u32 s17, v0;
	v1 =	vmul.u32 $0x186A0, v1  }
0xdc: {  	v32 =	vmulhi.u32 $0x4EC4EC4F, v2  }
0xdd: {  	v1 =	vadd.s32 v1, v3  }
0xde: {  	[tilespmem:$0x35F0] =	vst v1;
	v1 =	vshrl.u32 v32, $0x3  }
0xdf: {  	v1 =	vmul.u32 $0x1A, v1;
	v3 =	vld [tilespmem:s12+$0x0];
	_ =	sdelay $0x1  }
0xe0: {  	s18 =	sadd.s32 $0x210, s14;
	v1 =	vsub.s32 v2, v1  }
0xe1: {  	v2 =	vor.u32 s18, v0;
	v1 =	vmul.u32 $0x186A0, v1  }
0xe2: {  	v33 =	vmulhi.u32 $0x4EC4EC4F, v2  }
0xe3: {  	v1 =	vadd.s32 v1, v3  }
0xe4: {  	[tilespmem:$0x3600] =	vst v1;
	v1 =	vshrl.u32 v33, $0x3  }
0xe5: {  	v1 =	vmul.u32 $0x1A, v1;
	v3 =	vld [tilespmem:s12+$0x10];
	_ =	sdelay $0x1  }
0xe6: {  	s19 =	sadd.s32 $0x220, s14;
	v1 =	vsub.s32 v2, v1  }
0xe7: {  	v2 =	vor.u32 s19, v0;
	v1 =	vmul.u32 $0x186A0, v1  }
0xe8: {  	v34 =	vmulhi.u32 $0x4EC4EC4F, v2  }
0xe9: {  	v1 =	vadd.s32 v1, v3  }
0xea: {  	[tilespmem:$0x3610] =	vst v1;
	v1 =	vshrl.u32 v34, $0x3  }
0xeb: {  	v1 =	vmul.u32 $0x1A, v1;
	v3 =	vld [tilespmem:s12+$0x20];
	_ =	sdelay $0x1  }
0xec: {  	s20 =	sadd.s32 $0x230, s14;
	v1 =	vsub.s32 v2, v1  }
0xed: {  	v2 =	vor.u32 s20, v0;
	v1 =	vmul.u32 $0x186A0, v1  }
0xee: {  	v35 =	vmulhi.u32 $0x4EC4EC4F, v2  }
0xef: {  	v1 =	vadd.s32 v1, v3  }
0xf0: {  	[tilespmem:$0x3620] =	vst v1;
	v1 =	vshrl.u32 v35, $0x3  }
0xf1: {  	v1 =	vmul.u32 $0x1A, v1;
	v3 =	vld [tilespmem:s12+$0x30];
	_ =	sdelay $0x1  }
0xf2: {  	s21 =	sadd.s32 $0x240, s14;
	v1 =	vsub.s32 v2, v1  }
0xf3: {  	v2 =	vor.u32 s21, v0;
	v1 =	vmul.u32 $0x186A0, v1  }
0xf4: {  	v36 =	vmulhi.u32 $0x4EC4EC4F, v2  }
0xf5: {  	v1 =	vadd.s32 v1, v3  }
0xf6: {  	[tilespmem:$0x3630] =	vst v1;
	v1 =	vshrl.u32 v36, $0x3  }
0xf7: {  	v1 =	vmul.u32 $0x1A, v1;
	v3 =	vld [tilespmem:s12+$0x40];
	_ =	sdelay $0x1  }
0xf8: {  	s22 =	sadd.s32 $0x250, s14;
	v1 =	vsub.s32 v2, v1  }
0xf9: {  	v2 =	vor.u32 s22, v0;
	v1 =	vmul.u32 $0x186A0, v1  }
0xfa: {  	v37 =	vmulhi.u32 $0x4EC4EC4F, v2  }
0xfb: {  	v1 =	vadd.s32 v1, v3  }
0xfc: {  	[tilespmem:$0x3640] =	vst v1;
	v1 =	vshrl.u32 v37, $0x3  }
0xfd: {  	v1 =	vmul.u32 $0x1A, v1;
	v3 =	vld [tilespmem:s12+$0x50];
	_ =	sdelay $0x1  }
0xfe: {  	s23 =	sadd.s32 $0x260, s14;
	v1 =	vsub.s32 v2, v1  }
0xff: {  	v2 =	vor.u32 s23, v0;
	v1 =	vmul.u32 $0x186A0, v1  }
0x100: {  	v38 =	vmulhi.u32 $0x4EC4EC4F, v2  }
0x101: {  	v1 =	vadd.s32 v1, v3  }
0x102: {  	[tilespmem:$0x3650] =	vst v1;
	v1 =	vshrl.u32 v38, $0x3  }
0x103: {  	v1 =	vmul.u32 $0x1A, v1;
	v3 =	vld [tilespmem:s12+$0x60];
	_ =	sdelay $0x1  }
0x104: {  	s24 =	sadd.s32 $0x270, s14;
	v1 =	vsub.s32 v2, v1  }
0x105: {  	v2 =	vor.u32 s24, v0;
	v1 =	vmul.u32 $0x186A0, v1  }
0x106: {  	v39 =	vmulhi.u32 $0x4EC4EC4F, v2  }
0x107: {  	v1 =	vadd.s32 v1, v3  }
0x108: {  	[tilespmem:$0x3660] =	vst v1;
	v1 =	vshrl.u32 v39, $0x3  }
0x109: {  	v1 =	vmul.u32 $0x1A, v1;
	v3 =	vld [tilespmem:s12+$0x70];
	_ =	sdelay $0x1  }
0x10a: {  	s25 =	sadd.s32 $0x280, s14;
	v1 =	vsub.s32 v2, v1  }
0x10b: {  	v2 =	vor.u32 s25, v0;
	v1 =	vmul.u32 $0x186A0, v1  }
0x10c: {  	v40 =	vmulhi.u32 $0x4EC4EC4F, v2  }
0x10d: {  	v1 =	vadd.s32 v1, v3  }
0x10e: {  	[tilespmem:$0x3670] =	vst v1;
	v1 =	vshrl.u32 v40, $0x3  }
0x10f: {  	v1 =	vmul.u32 $0x1A, v1;
	v3 =	vld [tilespmem:s12+$0x80];
	_ =	sdelay $0x1  }
0x110: {  	s26 =	sadd.s32 $0x290, s14;
	v1 =	vsub.s32 v2, v1  }
0x111: {  	v2 =	vor.u32 s26, v0;
	v1 =	vmul.u32 $0x186A0, v1  }
0x112: {  	v41 =	vmulhi.u32 $0x4EC4EC4F, v2  }
0x113: {  	v1 =	vadd.s32 v1, v3  }
0x114: {  	[tilespmem:$0x3680] =	vst v1;
	v1 =	vshrl.u32 v41, $0x3  }
0x115: {  	v1 =	vmul.u32 $0x1A, v1;
	v3 =	vld [tilespmem:s12+$0x90];
	_ =	sdelay $0x1  }
0x116: {  	s28 =	sadd.s32 $0x2A0, s14;
	v1 =	vsub.s32 v2, v1  }
0x117: {  	v2 =	vor.u32 s28, v0;
	v1 =	vmul.u32 $0x186A0, v1  }
0x118: {  	v42 =	vmulhi.u32 $0x4EC4EC4F, v2  }
0x119: {  	v1 =	vadd.s32 v1, v3  }
0x11a: {  	[tilespmem:$0x3690] =	vst v1;
	v1 =	vshrl.u32 v42, $0x3  }
0x11b: {  	v1 =	vmul.u32 $0x1A, v1;
	v3 =	vld [tilespmem:s12+$0xA0];
	_ =	sdelay $0x1  }
0x11c: {  	s29 =	sadd.s32 $0x2B0, s14;
	v1 =	vsub.s32 v2, v1  }
0x11d: {  	v2 =	vor.u32 s29, v0;
	v1 =	vmul.u32 $0x186A0, v1  }
0x11e: {  	v43 =	vmulhi.u32 $0x4EC4EC4F, v2  }
0x11f: {  	v1 =	vadd.s32 v1, v3  }
0x120: {  	[tilespmem:$0x36A0] =	vst v1;
	v1 =	vshrl.u32 v43, $0x3  }
0x121: {  	v1 =	vmul.u32 $0x1A, v1;
	v3 =	vld [tilespmem:s12+$0xB0];
	_ =	sdelay $0x1  }
0x122: {  	s30 =	sadd.s32 $0x2C0, s14;
	v1 =	vsub.s32 v2, v1  }
0x123: {  	v2 =	vor.u32 s30, v0;
	v1 =	vmul.u32 $0x186A0, v1  }
0x124: {  	v44 =	vmulhi.u32 $0x4EC4EC4F, v2  }
0x125: {  	v1 =	vadd.s32 v1, v3  }
0x126: {  	[tilespmem:$0x36B0] =	vst v1;
	v1 =	vshrl.u32 v44, $0x3  }
0x127: {  	v1 =	vmul.u32 $0x1A, v1;
	v3 =	vld [tilespmem:s12+$0xC0];
	_ =	sdelay $0x1  }
0x128: {  	s31 =	sadd.s32 $0x2D0, s14;
	v1 =	vsub.s32 v2, v1  }
0x129: {  	v2 =	vor.u32 s31, v0;
	v1 =	vmul.u32 $0x186A0, v1  }
0x12a: {  	v45 =	vmulhi.u32 $0x4EC4EC4F, v2  }
0x12b: {  	v1 =	vadd.s32 v1, v3  }
0x12c: {  	[tilespmem:$0x36C0] =	vst v1;
	v1 =	vshrl.u32 v45, $0x3  }
0x12d: {  	v1 =	vmul.u32 $0x1A, v1;
	v3 =	vld [tilespmem:s12+$0xD0];
	_ =	sdelay $0x1  }
0x12e: {  	s16 =	sadd.s32 $0x2E0, s14;
	v1 =	vsub.s32 v2, v1  }
0x12f: {  	v2 =	vor.u32 s16, v0;
	v1 =	vmul.u32 $0x186A0, v1  }
0x130: {  	v46 =	vmulhi.u32 $0x4EC4EC4F, v2  }
0x131: {  	v1 =	vadd.s32 v1, v3  }
0x132: {  	[tilespmem:$0x36D0] =	vst v1;
	v1 =	vshrl.u32 v46, $0x3  }
0x133: {  	v1 =	vmul.u32 $0x1A, v1;
	v3 =	vld [tilespmem:s12+$0xE0];
	_ =	sdelay $0x1  }
0x134: {  	s17 =	sadd.s32 $0x2F0, s14;
	v1 =	vsub.s32 v2, v1  }
0x135: {  	v2 =	vor.u32 s17, v0;
	v1 =	vmul.u32 $0x186A0, v1  }
0x136: {  	v47 =	vmulhi.u32 $0x4EC4EC4F, v2  }
0x137: {  	v1 =	vadd.s32 v1, v3  }
0x138: {  	[tilespmem:$0x36E0] =	vst v1;
	v1 =	vshrl.u32 v47, $0x3  }
0x139: {  	v1 =	vmul.u32 $0x1A, v1;
	v3 =	vld [tilespmem:s12+$0xF0];
	_ =	sdelay $0x1  }
0x13a: {  	s18 =	sadd.s32 $0x300, s14;
	v1 =	vsub.s32 v2, v1  }
0x13b: {  	v2 =	vor.u32 s18, v0;
	v1 =	vmul.u32 $0x186A0, v1  }
0x13c: {  	v48 =	vmulhi.u32 $0x4EC4EC4F, v2  }
0x13d: {  	v1 =	vadd.s32 v1, v3  }
0x13e: {  	[tilespmem:$0x36F0] =	vst v1;
	v1 =	vshrl.u32 v48, $0x3  }
0x13f: {  	v1 =	vmul.u32 $0x1A, v1;
	v3 =	vld [tilespmem:s12+$0x100];
	_ =	sdelay $0x1  }
0x140: {  	s19 =	sadd.s32 $0x310, s14;
	v1 =	vsub.s32 v2, v1  }
0x141: {  	v2 =	vor.u32 s19, v0;
	v1 =	vmul.u32 $0x186A0, v1  }
0x142: {  	v49 =	vmulhi.u32 $0x4EC4EC4F, v2  }
0x143: {  	v1 =	vadd.s32 v1, v3  }
0x144: {  	[tilespmem:$0x3700] =	vst v1;
	v1 =	vshrl.u32 v49, $0x3  }
0x145: {  	v1 =	vmul.u32 $0x1A, v1;
	v3 =	vld [tilespmem:s12+$0x110];
	_ =	sdelay $0x1  }
0x146: {  	s20 =	sadd.s32 $0x320, s14;
	v1 =	vsub.s32 v2, v1  }
0x147: {  	v2 =	vor.u32 s20, v0;
	v1 =	vmul.u32 $0x186A0, v1  }
0x148: {  	v50 =	vmulhi.u32 $0x4EC4EC4F, v2  }
0x149: {  	v1 =	vadd.s32 v1, v3  }
0x14a: {  	[tilespmem:$0x3710] =	vst v1;
	v1 =	vshrl.u32 v50, $0x3  }
0x14b: {  	v1 =	vmul.u32 $0x1A, v1;
	v3 =	vld [tilespmem:s12+$0x120];
	_ =	sdelay $0x1  }
0x14c: {  	s21 =	sadd.s32 $0x330, s14;
	v1 =	vsub.s32 v2, v1  }
0x14d: {  	v2 =	vor.u32 s21, v0;
	v1 =	vmul.u32 $0x186A0, v1  }
0x14e: {  	v51 =	vmulhi.u32 $0x4EC4EC4F, v2  }
0x14f: {  	v1 =	vadd.s32 v1, v3  }
0x150: {  	[tilespmem:$0x3720] =	vst v1;
	v1 =	vshrl.u32 v51, $0x3  }
0x151: {  	v1 =	vmul.u32 $0x1A, v1;
	v3 =	vld [tilespmem:s12+$0x130];
	_ =	sdelay $0x1  }
0x152: {  	s22 =	sadd.s32 $0x340, s14;
	v1 =	vsub.s32 v2, v1  }
0x153: {  	v2 =	vor.u32 s22, v0;
	v1 =	vmul.u32 $0x186A0, v1  }
0x154: {  	v52 =	vmulhi.u32 $0x4EC4EC4F, v2  }
0x155: {  	v1 =	vadd.s32 v1, v3  }
0x156: {  	[tilespmem:$0x3730] =	vst v1;
	v1 =	vshrl.u32 v52, $0x3  }
0x157: {  	v1 =	vmul.u32 $0x1A, v1;
	v3 =	vld [tilespmem:s12+$0x140];
	_ =	sdelay $0x1  }
0x158: {  	s23 =	sadd.s32 $0x350, s14;
	v1 =	vsub.s32 v2, v1  }
0x159: {  	v2 =	vor.u32 s23, v0;
	v1 =	vmul.u32 $0x186A0, v1  }
0x15a: {  	v53 =	vmulhi.u32 $0x4EC4EC4F, v2  }
0x15b: {  	v1 =	vadd.s32 v1, v3  }
0x15c: {  	[tilespmem:$0x3740] =	vst v1;
	v1 =	vshrl.u32 v53, $0x3  }
0x15d: {  	v1 =	vmul.u32 $0x1A, v1;
	v3 =	vld [tilespmem:s12+$0x150];
	_ =	sdelay $0x1  }
0x15e: {  	s24 =	sadd.s32 $0x360, s14;
	v1 =	vsub.s32 v2, v1  }
0x15f: {  	v2 =	vor.u32 s24, v0;
	v1 =	vmul.u32 $0x186A0, v1  }
0x160: {  	v54 =	vmulhi.u32 $0x4EC4EC4F, v2  }
0x161: {  	v1 =	vadd.s32 v1, v3  }
0x162: {  	[tilespmem:$0x3750] =	vst v1;
	v1 =	vshrl.u32 v54, $0x3  }
0x163: {  	v1 =	vmul.u32 $0x1A, v1;
	v3 =	vld [tilespmem:s12+$0x160];
	_ =	sdelay $0x1  }
0x164: {  	s25 =	sadd.s32 $0x370, s14;
	v1 =	vsub.s32 v2, v1  }
0x165: {  	v2 =	vor.u32 s25, v0;
	v1 =	vmul.u32 $0x186A0, v1  }
0x166: {  	v55 =	vmulhi.u32 $0x4EC4EC4F, v2  }
0x167: {  	v1 =	vadd.s32 v1, v3  }
0x168: {  	[tilespmem:$0x3760] =	vst v1;
	v1 =	vshrl.u32 v55, $0x3  }
0x169: {  	v1 =	vmul.u32 $0x1A, v1;
	v3 =	vld [tilespmem:s12+$0x170];
	_ =	sdelay $0x1  }
0x16a: {  	s26 =	sadd.s32 $0x380, s14;
	v1 =	vsub.s32 v2, v1  }
0x16b: {  	v2 =	vor.u32 s26, v0;
	v1 =	vmul.u32 $0x186A0, v1  }
0x16c: {  	v56 =	vmulhi.u32 $0x4EC4EC4F, v2  }
0x16d: {  	v1 =	vadd.s32 v1, v3  }
0x16e: {  	[tilespmem:$0x3770] =	vst v1;
	v1 =	vshrl.u32 v56, $0x3  }
0x16f: {  	v1 =	vmul.u32 $0x1A, v1;
	v3 =	vld [tilespmem:s12+$0x180];
	_ =	sdelay $0x1  }
0x170: {  	s28 =	sadd.s32 $0x390, s14;
	v1 =	vsub.s32 v2, v1  }
0x171: {  	v2 =	vor.u32 s28, v0;
	v1 =	vmul.u32 $0x186A0, v1  }
0x172: {  	v57 =	vmulhi.u32 $0x4EC4EC4F, v2  }
0x173: {  	v1 =	vadd.s32 v1, v3  }
0x174: {  	[tilespmem:$0x3780] =	vst v1;
	v1 =	vshrl.u32 v57, $0x3  }
0x175: {  	v1 =	vmul.u32 $0x1A, v1;
	v3 =	vld [tilespmem:s12+$0x190];
	_ =	sdelay $0x1  }
0x176: {  	s29 =	sadd.s32 $0x3A0, s14;
	v1 =	vsub.s32 v2, v1  }
0x177: {  	v2 =	vor.u32 s29, v0;
	v1 =	vmul.u32 $0x186A0, v1  }
0x178: {  	v58 =	vmulhi.u32 $0x4EC4EC4F, v2  }
0x179: {  	v1 =	vadd.s32 v1, v3  }
0x17a: {  	[tilespmem:$0x3790] =	vst v1;
	v1 =	vshrl.u32 v58, $0x3  }
0x17b: {  	v1 =	vmul.u32 $0x1A, v1;
	v3 =	vld [tilespmem:s12+$0x1A0];
	_ =	sdelay $0x1  }
0x17c: {  	s30 =	sadd.s32 $0x3B0, s14;
	v1 =	vsub.s32 v2, v1  }
0x17d: {  	v2 =	vor.u32 s30, v0;
	v1 =	vmul.u32 $0x186A0, v1  }
0x17e: {  	v59 =	vmulhi.u32 $0x4EC4EC4F, v2  }
0x17f: {  	v1 =	vadd.s32 v1, v3  }
0x180: {  	[tilespmem:$0x37A0] =	vst v1;
	v1 =	vshrl.u32 v59, $0x3  }
0x181: {  	v1 =	vmul.u32 $0x1A, v1;
	v3 =	vld [tilespmem:s12+$0x1B0];
	_ =	sdelay $0x1  }
0x182: {  	s31 =	sadd.s32 $0x3C0, s14;
	v1 =	vsub.s32 v2, v1  }
0x183: {  	v2 =	vor.u32 s31, v0;
	v1 =	vmul.u32 $0x186A0, v1  }
0x184: {  	v60 =	vmulhi.u32 $0x4EC4EC4F, v2  }
0x185: {  	v1 =	vadd.s32 v1, v3  }
0x186: {  	[tilespmem:$0x37B0] =	vst v1;
	v1 =	vshrl.u32 v60, $0x3  }
0x187: {  	v1 =	vmul.u32 $0x1A, v1;
	v3 =	vld [tilespmem:s12+$0x1C0];
	_ =	sdelay $0x1  }
0x188: {  	s16 =	sadd.s32 $0x3D0, s14;
	v1 =	vsub.s32 v2, v1  }
0x189: {  	v2 =	vor.u32 s16, v0;
	v1 =	vmul.u32 $0x186A0, v1  }
0x18a: {  	v61 =	vmulhi.u32 $0x4EC4EC4F, v2  }
0x18b: {  	v1 =	vadd.s32 v1, v3  }
0x18c: {  	[tilespmem:$0x37C0] =	vst v1;
	v1 =	vshrl.u32 v61, $0x3  }
0x18d: {  	v1 =	vmul.u32 $0x1A, v1;
	v3 =	vld [tilespmem:s12+$0x1D0];
	_ =	sdelay $0x1  }
0x18e: {  	s17 =	sadd.s32 $0x3E0, s14;
	v1 =	vsub.s32 v2, v1  }
0x18f: {  	v2 =	vor.u32 s17, v0;
	v1 =	vmul.u32 $0x186A0, v1  }
0x190: {  	v62 =	vmulhi.u32 $0x4EC4EC4F, v2  }
0x191: {  	v1 =	vadd.s32 v1, v3  }
0x192: {  	[tilespmem:$0x37D0] =	vst v1;
	v1 =	vshrl.u32 v62, $0x3  }
0x193: {  	v1 =	vmul.u32 $0x1A, v1;
	v3 =	vld [tilespmem:s12+$0x1E0];
	_ =	sdelay $0x1  }
0x194: {  	s18 =	sadd.s32 $0x3F0, s14;
	v1 =	vsub.s32 v2, v1  }
0x195: {  	v2 =	vor.u32 s18, v0;
	v1 =	vmul.u32 $0x186A0, v1  }
0x196: {  	v63 =	vmulhi.u32 $0x4EC4EC4F, v2  }
0x197: {  	v1 =	vadd.s32 v1, v3  }
0x198: {  	s19 =	rddreg [dreg:$0x3];
	[tilespmem:$0x37E0] =	vst v1;
	v1 =	vshrl.u32 v63, $0x3  }
0x199: {  	s20 =	rddreg [dreg:$0x6];
	v1 =	vmul.u32 $0x1A, v1;
	v3 =	vld [tilespmem:s12+$0x1F0]  }
0x19a: {  	s21 =	rddreg [dreg:$0x7]  }
0x19b: {  	s22 =	rddreg [dreg:$0x8];
	v1 =	vsub.s32 v2, v1  }
0x19c: {  	s23 =	rddreg [dreg:$0xa];
	v1 =	vmul.u32 $0x186A0, v1  }
0x19d: {  	s24 =	rddreg [dreg:$0xb]  }
0x19e: {  	s25 =	rddreg [dreg:$0xc];
	v1 =	vadd.s32 v1, v3  }
0x19f: {  	s16 =	rddreg [dreg:$0x4];
	[tilespmem:$0x37F0] =	vst v1  }
0x1a0: {  	[tilespmem:s9], [sflag:$0x1] =	stream.indirect.gather [hbm4b:s3+s8], $0x20, s19, s8, $0xb8;
	[tilespmem:$0xB800] =	vst v63  }
0x1a1: {  	s17 =	rddreg [dreg:$0x5]  }
0x1a2: {  	[tilespmem:s17], [sflag:$0x1] =	stream.indirect.gather [hbm4b:s3+s8], $0x20, s16, s8, $0xb8;
	[tilespmem:$0xB800] =	vst v63  }
0x1a3: {  	s26 =	rddreg [dreg:$0xd]  }
0x1a4: {  	[tilespmem:s21], [sflag:$0x1] =	stream.indirect.gather [hbm4b:s3+s8], $0x20, s20, s8, $0xb8;
	[tilespmem:$0xB800] =	vst v63  }
0x1a5: {  	s18 =	rddreg [dreg:$0x9]  }
0x1a6: {  	[tilespmem:s18], [sflag:$0x1] =	stream.indirect.gather [hbm4b:s3+s8], $0x20, s22, s8, $0xb8;
	[tilespmem:$0xB800] =	vst v63  }
0x1a7: {  	s28 =	rddreg [dreg:$0xe]  }
0x1a8: {  	[tilespmem:s24], [sflag:$0x1] =	stream.indirect.gather [hbm4b:s3+s8], $0x20, s23, s8, $0xb8;
	[tilespmem:$0xB800] =	vst v63  }
0x1a9: {  	s29 =	rddreg [dreg:$0xf]  }
0x1aa: {  	[tilespmem:s26], [sflag:$0x1] =	stream.indirect.gather [hbm4b:s3+s8], $0x20, s25, s8, $0xb8;
	[tilespmem:$0xB800] =	vst v63  }
0x1ab: {  	s30 =	rddreg [dreg:$0x10]  }
0x1ac: {  	[tilespmem:s29], [sflag:$0x1] =	stream.indirect.gather [hbm4b:s3+s8], $0x20, s28, s8, $0xb8;
	[tilespmem:$0xB800] =	vst v63  }
0x1ad: {  	s31 =	rddreg [dreg:$0x11]  }
0x1ae: {  	[tilespmem:s31], [sflag:$0x1] =	stream.indirect.gather [hbm4b:s3+s8], $0x20, s30, s8, $0xb8;
	[tilespmem:$0xB800] =	vst v63  }
0x1af: {  	_ =	swait.ge [sflag:s10], $0x1000  }
0x1b0: {  	[sflag:s10] =	ssyncset.done $0x0  }
0x1b1: {  	[sflag:s10] =	ssyncadd.s32 $0xFFFFF000  }
0x1b2: {  	_ =	swait.ge [sflag:s10], $0x1000  }
0x1b3: {  	[sflag:s10] =	ssyncset.done $0x0  }
0x1b4: {  	[sflag:s10] =	ssyncadd.s32 $0xFFFFF000  }
0x1b5: {  	_ =	swait.ge [sflag:s10], $0x1000  }
0x1b6: {  	[sflag:s10] =	ssyncset.done $0x0  }
0x1b7: {  	[sflag:s10] =	ssyncadd.s32 $0xFFFFF000  }
0x1b8: {  	_ =	swait.ge [sflag:s10], $0x1000  }
0x1b9: {  	[sflag:s10] =	ssyncset.done $0x0  }
0x1ba: {  	[sflag:s10] =	ssyncadd.s32 $0xFFFFF000  }
0x1bb: {  	_ =	swait.ge [sflag:s10], $0x1000  }
0x1bc: {  	[sflag:s10] =	ssyncset.done $0x0  }
0x1bd: {  	[sflag:s10] =	ssyncadd.s32 $0xFFFFF000  }
0x1be: {  	_ =	swait.ge [sflag:s10], $0x1000  }
0x1bf: {  	[sflag:s10] =	ssyncset.done $0x0  }
0x1c0: {  	[sflag:s10] =	ssyncadd.s32 $0xFFFFF000  }
0x1c1: {  	_ =	swait.ge [sflag:s10], $0x1000  }
0x1c2: {  	[sflag:s10] =	ssyncset.done $0x0  }
0x1c3: {  	[sflag:s10] =	ssyncadd.s32 $0xFFFFF000  }
0x1c4: {  	_ =	swait.ge [sflag:s10], $0x1000  }
0x1c5: {  	p0 =	sne.s32 s14, $0x3000;
	[sflag:s10] =	ssyncset.done $0x0  }
.Ltmp0:
0x1c6: {  	[sflag:s10] =	ssyncadd.s32 $0xFFFFF000;
	(pc) =	sbr.rel @p0 .LBB2_2-.Ltmp0, $4  }
0x1c7: {  	[hbm4b:s13+s2] =	stream.linear.scatter [tilespmem:s9], [sflag:$0x2], $0x8000, $0x38;
	[tilespmem:$0xB800] =	vst v63  }
0x1c8: {  	_ =	swait.ge [sflag:s7], $0x8000  }
0x1c9: {  	s14 =	sadd.s32 $0x400, s14;
	[sflag:s7] =	ssyncset.done $0x0  }
0x1ca: {  	s12 =	sadd.s32 $0x400, s12;
	s13 =	sadd.s32 $0x1000, s13;
	[sflag:s7] =	ssyncadd.s32 $0xFFFF8000  }
0x1cb: {  	s11 =	sadd.s32 $0x1, s11  }
0x1cc: {  	p0 =	sne.s32 s11, s5  }
.Ltmp1:
0x1cd: {  	_ = 	snop;
	(pc) =	sbr.rel @p0 .LBB2_1-.Ltmp1, $1  }
0x1ce: {  	_ =	sdelay $0x3  }
0x1cf: {  	_ =	sfence.sel $0x180000  }
0x1d0: {  	[bflag:$0x0] =	sbarrier.arrive $0xFFFF  }
0x1d1: {  	p0 =	sne.s32 s1, $0x0;
	_ =	strace $0x90000047  }
0x1d2: {  	s0 =	sadd.s32 @!p0 $0x100000, s0;
	[bflag:$0x2] =	sbarrier.arrive $0xFFFF  }
0x1d3: {  	[sflag:s0] =	ssyncadd.tile.s32 @!p0 $0x1;
	_ =	shalt  }
.Lfunc_end2:
_tile_overlayer_lowered:
.L_overlay_start_2:
0x1d4: {  	(tag) =	ssettag $0x2  }
0x1d5: {  	s0 =	rddreg [dreg:$0x0];
	s2 =	stileid.u32  }
0x1d6: {  	s1 =	rddreg [dreg:$0x1];
	p0 =	sne.s32 s2, $0x0  }
0x1d7: {  	s3 =	rddreg [dreg:$0x2];
	[bflag:$0x3] =	sbarrier.arrive $0xFFFF;
	s2 =	simm.s32 @!p0 $0x1C02  }
0x1d8: {  	[timem:s3], [sflag:s2] =	dma.local @!p0 [hbm:s0], s1  }
0x1d9: {  	s0 =	simm.s32 @!p0 $0x2  }
0x1da: {  	_ =	swait.ge @!p0 [sflag:s0], s1  }
0x1db: {  	s1 =	ssub.s32 @!p0 $0x0, s1;
	[sflag:s0] =	ssyncset.done @!p0 $0x0  }
0x1dc: {  	[sflag:s0] =	ssyncadd.s32 @!p0 s1  }
0x1dd: {  	[bflag:$0x3] =	sbarrier.arrive $0xFFFF  }
0x1de: {  	_ =	shalt  }

// kernel: sparse-core-data-format-call.cloned.1.call-start
scs
called_computation_lowered:
.L_overlay_start_0:
0x0: {  	s2 =	sld [smem:$0x3FD9]  }
0x1: {  	s3 =	sld [smem:$0x3FFE];
	_ =	sdelay $0x1  }
0x2: {  	s1 =	srdreg.scid  }
0x3: {  	s0 =	sand.u32 $0x1, s1  }
0x4: {  	s18 =	sshll.u32 s0, $0xA;
	s2 =	sadd.s32 s3, s2  }
0x5: {  	s2 =	sadd.s32 s2, s18  }
0x6: {  	[smem:$0x3FC6] =	sst s2  }
0x7: {  	_ = 	snop  }
0x8: {  	s2 =	sld [smem:$0x3FD0];
	(tm) =	ssettm $0x1  }
0x9: {  	s19 =	sld [smem:$0x3FFB];
	_ =	sdelay $0x3  }
0xa: {  	_ =	strace s19  }
0xb: {  	s3 =	sld [smem:$0x3FFC];
	_ =	sdelay $0x3  }
0xc: {  	_ =	strace s3  }
0xd: {  	s3 =	sld [smem:$0x3FFD];
	_ =	sdelay $0x3  }
0xe: {  	_ =	strace s3  }
0xf: {  	_ =	strace $0x8FFFFFFF  }
0x10: {  	s20 =	sld [smem:$0x3FDB];
	_ =	sdelay $0x1  }
0x11: {  	s4 =	simm.s32 $_scs_section_size  }
0x12: {  	s5 =	simm.s32 $_size__tile_overlayer_lowered;
	s6 =	simm.s32 $_tile_overlayer_lowered  }
0x13: {  	s23 =	simm.s32 $0x1BFF;
	s22 =	sshll.u32 s6, $0x1;
	s3 =	sadd.s32 s4, s20  }
0x14: {  	s7 =	simm.s32 $0x0;
	s21 =	sshll.u32 s5, $0x1;
	s5 =	sadd.s32 s22, s3  }
0x15: {  	[timem:s7], [sflag:s23] =	dma.local [hbm:s5], s21  }
0x16: {  	_ =	swait.ge [sflag:s23], s21  }
0x17: {  	s4 =	ssub.s32 $0x0, s21;
	[sflag:s23] =	ssyncset.done $0x0  }
0x18: {  	[sflag:s23] =	ssyncadd.s32 s4;
	_ =	sdelay $0x1  }
0x19: {  	s24 =	simm.s32 $0x1B8B  }
0x1a: {  	_ =	swait.ge [sflag:s24], $0x1  }
0x1b: {  	[sflag:s24] =	ssyncset.done $0x0  }
0x1c: {  	s26 =	simm.s32 $0x1B8E;
	s25 =	sld [smem:$0x3FFE];
	[sflag:s24] =	ssyncadd.s32 $0xFFFFFFFF  }
0x1d: {  	s27 =	simm.s32 $execute0_lowered;
	[smem:$0x3FD2] =	sst s26  }
0x1e: {  	s5 =	sshll.u32 s27, $0x1;
	_ =	strace $0x80000049;
	[dreg:$0x1] =	wrdreg $0xFFFFFFFF  }
0x1f: {  	s28 =	simm.s32 $_size_execute0_lowered;
	s3 =	sadd.s32 s3, s5;
	[dreg:$0x0] =	wrdreg $0x0  }
0x20: {  	s5 =	sshll.u32 s28, $0x1;
	[dreg:$0x2] =	wrdreg s3  }
0x21: {  	[dreg:$0x3] =	wrdreg s5  }
0x22: {  	[dreg:$0x4] =	wrdreg $0xC0  }
0x23: {  	_ =	task [dreg:s7], $0x5FFFF  }
0x24: {  	[dreg:$0x1] =	wrdreg $0xFFFFFFFF  }
0x25: {  	[dreg:$0x0] =	wrdreg $0x60  }
0x26: {  	[dreg:$0x2] =	wrdreg s25  }
0x27: {  	[dreg:$0x3] =	wrdreg s2  }
0x28: {  	[dreg:$0x4] =	wrdreg $0x9  }
0x29: {  	_ =	task.clear_ibuf [dreg:s7], $0x5FFFF;
	_ =	strace $0x90000049  }
0x2a: {  	s29 =	simm.s32 $0x9;
	_ =	strace $0x8000004B  }
0x2b: {  	_ =	swait.ge [sflag:s29], $0x1  }
0x2c: {  	[sflag:s29] =	ssyncadd.s32 $0xFFFFFFFF  }
0x2d: {  	_ =	strace $0x9000004B  }
0x2e: {  	_ =	sfence  }
0x2f: {  	s30 =	sld [smem:$0x0];
	_ =	sdelay $0x2  }
0x30: {  	s31 =	sshll.u32 s1, $0xD;
	s1 =	sshrl.u32 s1, $0x2  }
0x31: {  	s3 =	sand.u32 $0x4000, s31;
	s1 =	sadd.s32 s1, s30  }
0x32: {  	s0 =	sor.u32 s3, s0;
	s1 =	sshll.u32 s1, $0x11  }
0x33: {  	s0 =	sor.u32 s1, s0  }
0x34: {  	s0 =	sadd.s32 $0x8F2B, s0  }
0x35: {  	[sflag:s0] =	ssyncadd.remote.s32 $0x1  }
0x36: {  	_ =	sfence.sel $0xFFFF  }
0x37: {  	[dreg:$0x0] =	wrdreg $0xFFFFFFFF;
	(pc) =	sbr.abs _section_cstart, $3  }
0x38: {  	[dreg:$0x1] =	wrdreg $0xFFFFFFFF  }
0x39: {  	_ =	task.clear_ibuf [dreg:s7], $0x2FFFF;
	_ =	strace $0x9FFFFFFF  }
0x3a: {  	(tm) =	ssettm $0x7FFFFFFF  }
0x3b: {  	_ =	shalt  }
tec
execute0_lowered:
.L_overlay_start_1:
0x0: {  	(tag) =	ssettag $0x1  }
0x1: {  	s0 =	srdreg.scid  }
0x2: {  	s1 =	sshll.u32 s0, $0x4  }
0x3: {  	s6 =	rddreg [dreg:$0x0];
	s0 =	stileid.u32;
	s1 =	sand.u32 $0x10, s1  }
0x4: {  	s3 =	rddreg [dreg:$0x1];
	s1 =	sor.u32 s0, s1  }
0x5: {  	s5 =	simm.s32 $0x1;
	s31 =	simm.s32 $0x2;
	s2 =	sshll.u32 s1, $0x7  }
0x6: {  	s15 =	simm.s32 $0x0;
	s8 =	simm.s32 $0x20000;
	s4 =	ssub.s32 $0x4000, s2  }
0x7: {  	s14 =	simm.s32 $0x0;
	s9 =	simm.s32 $0x0;
	s30 =	sand.u32 $0xF80, s4  }
0x8: {  	s10 =	simm.s32 $0x0;
	s11 =	simm.s32 $0x0;
	p0 =	sne.s32 s30, $0x0  }
.Ltmp0:
0x9: {  	s7 =	sshrl.u32 s4, $0xC;
	s5 =	simm.s32 @!p0 $0x0;
	(pc) =	sbr.rel .LBB1_1-.Ltmp0, $4  }
0xa: {  	s13 =	simm.s32 $0x0;
	s1 =	rddreg [dreg:$0x2];
	s5 =	sadd.s32 s5, s7  }
0xb: {  	_ =	strace $0x8000004A;
	s4 =	simm.s32 $0x1;
	s5 =	smul.u32 $0x7, s5  }
0xc: {  	s6 =	sadd.s32 $0xA00, s6;
	s12 =	smov.u32 s2;
	[sflag:s4] =	ssyncpa.u1 $0x0  }
0xd: {  	[sflag:s31] =	ssyncpa.u1 $0x0;
	p0 =	por $0x0, $0x0;
	s7 =	sadd.s32 $0x1, s5  }
.LBB1_4:
0xe: {  	s20 =	sshra.s32 s20, $0x2  }
0xf: {  	s28 =	sand.u32 $0x78, s10;
	s21 =	sshll.u32 s9, $0xE;
	s22 =	sshll.u32 s10, $0x3  }
0x10: {  	s24 =	sshll.u32 s9, $0x7;
	p1 =	sgt.s32 s9, $0x2C0;
	s30 =	sshra.s32 s9, $0x1F  }
0x11: {  	s26 =	sshra.s32 s10, $0x1F;
	s19 =	sadd.s32 s20, s19;
	s21 =	sand.u32 $0xFFFE0000, s21  }
0x12: {  	v5 =	vld [tilespmem:s17+$0xFFFFFFD0];
	[tilespmem:s18+$0x2040 ss:$0x81] =	vst.msk $0xffff, v4;
	s23 =	sand.u32 $0xFFFFFC00, s22;
	s29 =	sand.u32 $0x380, s24;
	s22 =	sand.u32 $0x3C00, s22  }
0x13: {  	v58 =	vld [tilespmem:s17+$0xFFFFFFE0];
	[tilespmem:s18+$0x2850 ss:$0x81] =	vst.msk $0xffff, v3;
	s21 =	sadd.s32 s23, s21;
	s20 =	sor.u32 s28, s22;
	s22 =	smov.u32 s9  }
0x14: {  	v59 =	vld [tilespmem:s17+$0xFFFFFFF0];
	[tilespmem:s18+$0x3060 ss:$0x81] =	vst.msk $0xffff, v2;
	s24 =	sand.u32 s30, s9;
	s21 =	sshrl.u32 s21, $0xE;
	s22 =	simm.s32 @!p1 $0x2C0  }
0x15: {  	v60 =	vld [tilespmem:s17+$0x0];
	[tilespmem:s18+$0x0 ss:$0x81] =	vst.msk $0xffff, v1;
	p1 =	sgt.s32 s10, $0x3F80;
	s31 =	ssub.s32 s22, s24;
	s22 =	smov.u32 s10  }
0x16: {  	v61 =	vld [tilespmem:s17+$0x10];
	[tilespmem:s19+$0x3870 ss:$0x81] =	vst.msk $0xffff, v0;
	s25 =	smulhi.u32 $0x4EC4ED, s21;
	s24 =	sand.u32 s26, s10;
	s22 =	simm.s32 @!p1 $0x3F80  }
0x17: {  	v62 =	vld [tilespmem:s17+$0x20];
	s20 =	sor.u32 s29, s20;
	[tilespmem:s19+$0x810 ss:$0x81] =	vst.msk $0xffff, v5;
	s27 =	sadd.s32 $0xFFFFFD40, s31;
	s22 =	ssub.s32 s22, s24  }
0x18: {  	v63 =	vld [tilespmem:s17+$0xFFFFFFC0];
	[tilespmem:s19+$0x1020 ss:$0x81] =	vst.msk $0xffff, v58;
	s18 =	ssub.s32 $0x340, s31;
	s28 =	smul.u32 $0x340, s25;
	s29 =	sadd.s32 $0xFFFFC080, s22  }
0x19: {  	[tilespmem:s19+$0x1830 ss:$0x81] =	vst.msk $0xffff, v59;
	p1 =	sgt.s32 s27, $0x7F;
	s22 =	ssub.s32 $0x4000, s22;
	p2 =	sgt.s32 s29, $0x7F  }
0x1a: {  	s30 =	sand.u32 $0x7, s10;
	[tilespmem:s19+$0x2040 ss:$0x81] =	vst.msk $0xffff, v60;
	s18 =	simm.s32 @p1 $0x0;
	s22 =	simm.s32 @p2 $0x0  }
0x1b: {  	s20 =	sshrl.u32 s20, $0x3;
	[tilespmem:s19+$0x2850 ss:$0x81] =	vst.msk $0xffff, v61;
	s17 =	ssub.s32 s21, s28;
	s18 =	smul.u32 s22, s18  }
0x1c: {  	[tilespmem:s19+$0x3060 ss:$0x81] =	vst.msk $0xffff, v62;
	s20 =	sadd.s32 s3, s20;
	s21 =	sshll.u32 s30, $0x12;
	s17 =	sshll.u32 s17, $0xB  }
0x1d: {  	[tilespmem:s19+$0x0 ss:$0x81] =	vst.msk $0xffff, v63;
	s31 =	sor.u32 $0x400, s21;
	s17 =	sadd.s32 s17, s20;
	s18 =	sand.u32 $0x3FFFFFFF, s18  }
0x1e: {  	[hbm4b:s17+s31] =	stream.strided.scatter [tilespmem:s16], [sflag:$0x2], s18, s8, s31, $0x20;
	[tilespmem:$0x10100] =	vst v63  }
.LBB1_5:
0x1f: {  	p1 =	slt.u32 s13, $0x2  }
0x20: {  	s17 =	smov.u32 s15;
	p2 =	sgt.s32 @!p1 s15, $0x2C0;
	s16 =	sshra.s32 @!p1 s15, $0x1F  }
0x21: {  	p3 =	sgt.s32 @!p1 s14, $0x3F80;
	s18 =	sshra.s32 @!p1 s14, $0x1F;
	p2 =	por !p2, p1  }
0x22: {  	s15 =	sand.u32 @!p1 s16, s15;
	p3 =	por !p3, p1;
	s16 =	smov.u32 s14  }
0x23: {  	s14 =	sand.u32 @!p1 s18, s14;
	s17 =	simm.s32 @p2 $0x2C0;
	s16 =	simm.s32 @p3 $0x3F80  }
0x24: {  	s15 =	ssub.s32 @!p1 s17, s15;
	s14 =	ssub.s32 @!p1 s16, s14  }
0x25: {  	s18 =	smov.u32 s12;
	s16 =	sadd.s32 @!p1 $0xFFFFFD40, s15;
	s17 =	sadd.s32 @!p1 $0xFFFFC080, s14  }
0x26: {  	s15 =	ssub.s32 @!p1 $0x340, s15;
	p2 =	sgt.s32 @!p1 s16, $0x7F;
	p3 =	sgt.s32 @!p1 s17, $0x7F  }
0x27: {  	s14 =	ssub.s32 @!p1 $0x4000, s14;
	p2 =	por !p2, p1;
	p3 =	por !p3, p1  }
0x28: {  	s16 =	sadd.s32 $0x80, s11;
	s15 =	simm.s32 @!p2 $0x0;
	s14 =	simm.s32 @!p3 $0x0  }
0x29: {  	p2 =	sgt.s32 s16, $0x33F;
	s14 =	smul.u32 @!p1 s14, s15;
	s15 =	sadd.s32 $0x1000, s12  }
0x2a: {  	s18 =	smov.u32 @p2 s15  }
0x2b: {  	s16 =	simm.s32 @p2 $0x0;
	p2 =	sgt.s32 s18, $0x3FFF  }
0x2c: {  	s18 =	smov.u32 @p2 s2;
	p2 =	sne.s32 s13, s7  }
.Ltmp1:
0x2d: {  	p0 =	por !p0, !p0;
	s17 =	simm.s32 @!p1 $0x2;
	(pc) =	sbr.rel @!p2 .LBB1_6-.Ltmp1, $4  }
0x2e: {  	s15 =	smov.u32 s9;
	s9 =	smov.u32 s11;
	s14 =	sand.u32 @!p1 $0x3FFFFFFF, s14  }
0x2f: {  	s11 =	smov.u32 s16;
	_ =	swait.ge @!p1 [sflag:s17], s14;
	s19 =	ssub.s32 @!p1 $0x0, s14  }
0x30: {  	s14 =	smov.u32 s10;
	s13 =	sadd.s32 $0x1, s13;
	[sflag:s17] =	ssyncset.done @!p1 $0x0  }
0x31: {  	s10 =	smov.u32 s12;
	s12 =	smov.u32 s18;
	[sflag:s17] =	ssyncadd.s32 @!p1 s19  }
.LBB1_1:
0x32: {  	p1 =	sge.u32 s13, s5  }
0x33: {  	s16 =	sshrl.u32 @!p1 s12, $0x3  }
0x34: {  	s17 =	sshll.u32 @!p1 s11, $0x3;
	s16 =	smul.u32 @!p1 $0x1C00, s16  }
0x35: {  	s18 =	sshll.u32 @!p1 s12, $0x7;
	s17 =	sand.u32 @!p1 $0xFFFFFC00, s17  }
0x36: {  	s16 =	sadd.s32 @!p1 s16, s17;
	s17 =	sand.u32 @!p1 $0x380, s18  }
0x37: {  	s16 =	sor.u32 @!p1 s17, s16  }
0x38: {  	s17 =	sshrl.u32 @!p1 s16, $0x7  }
0x39: {  	s17 =	smulhi.u32 @!p1 $0x24924925, s17;
	_ =	sdelay $0x1  }
0x3a: {  	s18 =	sand.u32 @!p1 $0x7F, s11;
	s19 =	smul.u32 @!p1 $0x380, s17  }
0x3b: {  	s31 =	sadd.s32 $0xFFFFFFFF, s13;
	s16 =	sor.u32 @!p1 s18, s16;
	s18 =	sxor.u32 @!p1 $0xFFFFFFFF, s13  }
0x3c: {  	s18 =	sshll.u32 @!p1 s18, $0xE;
	s17 =	sand.u32 @!p1 $0x3FFF, s17;
	s16 =	ssub.s32 @!p1 s16, s19  }
0x3d: {  	s17 =	smul.u32 @!p1 $0x70, s17;
	s19 =	sshrl.u32 @!p1 s16, $0x3;
	s16 =	sand.u32 @!p1 $0x7, s16  }
0x3e: {  	s18 =	sand.u32 @!p1 $0x4000, s18;
	s19 =	sadd.s32 @!p1 s6, s19;
	s16 =	sshll.u32 @!p1 s16, $0x12  }
0x3f: {  	s17 =	sadd.s32 @!p1 s17, s19;
	s16 =	sor.u32 @!p1 $0x400, s16;
	s19 =	simm.s32 @!p1 $0x1C00  }
0x40: {  	[tilespmem:s18], [sflag:$0x1] =	stream.strided.gather @!p1 [hbm4b:s17+s16], $0x4000, s19, s16, $0x38;
	[tilespmem:$0x10100] =	vst v63  }
0x41: {  	p1 =	sge.u32 s31, s5  }
.Ltmp2:
0x42: {  	_ = 	snop;
	(pc) =	sbr.rel @p1 .LBB1_5-.Ltmp2, $1  }
0x43: {  	_ =	sdelay $0x3  }
0x44: {  	s16 =	simm.s32 $0x1  }
0x45: {  	_ =	swait.ge [sflag:s4], $0x4000;
	s16 =	simm.s32 @!p0 $0x0  }
0x46: {  	[sflag:s4] =	ssyncset.done $0x0;
	s17 =	sshll.u32 s16, $0xE  }
0x47: {  	[sflag:s4] =	ssyncadd.s32 $0xFFFFC000;
	s17 =	sor.u32 $0x40, s17  }
0x48: {  	s16 =	smul.u32 $0x10200, s16;
	v0 =	vld [tilespmem:s17+$0x30]  }
0x49: {  	v1 =	vld [tilespmem:s17+$0xFFFFFFD0]  }
0x4a: {  	s16 =	sshrl.u32 s16, $0x2;
	v5 =	vld [tilespmem:s17+$0xFFFFFFE0]  }
0x4b: {  	v6 =	vld [tilespmem:s17+$0xFFFFFFF0];
	s19 =	sor.u32 $0x8000, s16  }
0x4c: {  	s31 =	sand.u32 $0x1, s13;
	v4 =	vld [tilespmem:s17+$0x0];
	s18 =	sadd.s32 $0x0, s19  }
0x4d: {  	v3 =	vld [tilespmem:s17+$0x10];
	s16 =	smul.u32 $0x10200, s31;
	[tilespmem:s18+$0x3870 ss:$0x81] =	vst.msk $0xffff, v0  }
0x4e: {  	v2 =	vld [tilespmem:s17+$0x20];
	[tilespmem:s18+$0x810 ss:$0x81] =	vst.msk $0xffff, v1  }
0x4f: {  	s16 =	sshrl.u32 s16, $0x2;
	v1 =	vld [tilespmem:s17+$0xFFFFFFC0];
	[tilespmem:s18+$0x1020 ss:$0x81] =	vst.msk $0xffff, v5;
	s17 =	sadd.s32 $0x80, s17  }
0x50: {  	s20 =	simm.s32 $0x4;
	s21 =	simm.s32 $0x8;
	s16 =	sor.u32 $0x8000, s16;
	[tilespmem:s18+$0x1830 ss:$0x81] =	vst.msk $0xffff, v6;
	v0 =	vld [tilespmem:s17+$0x30]  }
.LBB1_3:
0x51: {  	p1 =	sne.s32 s21, $0x1FC;
	v5 =	vld [tilespmem:s17+$0xFFFFFFD0];
	[tilespmem:s18+$0x2040 ss:$0x81] =	vst.msk $0xffff, v4  }
0x52: {  	v6 =	vld [tilespmem:s17+$0xFFFFFFE0];
	[tilespmem:s18+$0x2850 ss:$0x81] =	vst.msk $0xffff, v3  }
0x53: {  	s22 =	sshra.s32 s20, $0x2;
	s20 =	smov.u32 s21;
	v7 =	vld [tilespmem:s17+$0xFFFFFFF0];
	[tilespmem:s18+$0x3060 ss:$0x81] =	vst.msk $0xffff, v2  }
.Ltmp3:
0x54: {  	v4 =	vld [tilespmem:s17+$0x0];
	[tilespmem:s18+$0x0 ss:$0x81] =	vst.msk $0xffff, v1;
	s18 =	sadd.s32 s22, s19;
	(pc) =	sbr.rel @p1 .LBB1_3-.Ltmp3, $4  }
0x55: {  	v3 =	vld [tilespmem:s17+$0x10];
	[tilespmem:s18+$0x3870 ss:$0x81] =	vst.msk $0xffff, v0  }
0x56: {  	[tilespmem:s18+$0x810 ss:$0x81] =	vst.msk $0xffff, v5;
	v2 =	vld [tilespmem:s17+$0x20]  }
0x57: {  	v1 =	vld [tilespmem:s17+$0xFFFFFFC0];
	[tilespmem:s18+$0x1020 ss:$0x81] =	vst.msk $0xffff, v6;
	s17 =	sadd.s32 $0x80, s17  }
0x58: {  	s21 =	sadd.s32 $0x4, s21;
	v0 =	vld [tilespmem:s17+$0x30];
	[tilespmem:s18+$0x1830 ss:$0x81] =	vst.msk $0xffff, v7  }
.Ltmp4:
0x59: {  	_ = 	snop;
	(pc) =	sbr.rel .LBB1_4-.Ltmp4, $1  }
0x5a: {  	_ =	sdelay $0x3  }
.LBB1_6:
0x5b: {  	_ =	sfence.sel $0x180000  }
0x5c: {  	s2 =	simm.s32 $0x1;
	[bflag:$0x0] =	sbarrier.arrive $0xFFFF  }
0x5d: {  	s31 =	simm.s32 $0x2;
	[sflag:s2] =	ssyncpa.u1 $0x1  }
0x5e: {  	[sflag:s31] =	ssyncpa.u1 $0x1  }
0x5f: {  	p0 =	sne.s32 s0, $0x0;
	_ =	strace $0x9000004A  }
0x60: {  	s0 =	sadd.s32 @!p0 $0x100000, s1;
	[bflag:$0x2] =	sbarrier.arrive $0xFFFF  }
0x61: {  	[sflag:s0] =	ssyncadd.tile.s32 @!p0 $0x1;
	_ =	shalt  }
.Lfunc_end1:
_tile_overlayer_lowered:
.L_overlay_start_2:
0x62: {  	(tag) =	ssettag $0x2  }
0x63: {  	s0 =	rddreg [dreg:$0x0];
	s2 =	stileid.u32  }
0x64: {  	s1 =	rddreg [dreg:$0x1];
	p0 =	sne.s32 s2, $0x0  }
0x65: {  	s3 =	rddreg [dreg:$0x2];
	[bflag:$0x3] =	sbarrier.arrive $0xFFFF;
	s2 =	simm.s32 @!p0 $0x1C01  }
0x66: {  	[timem:s3], [sflag:s2] =	dma.local @!p0 [hbm:s0], s1  }
0x67: {  	s0 =	simm.s32 @!p0 $0x1  }
0x68: {  	_ =	swait.ge @!p0 [sflag:s0], s1  }
0x69: {  	s1 =	ssub.s32 @!p0 $0x0, s1;
	[sflag:s0] =	ssyncset.done @!p0 $0x0  }
0x6a: {  	[sflag:s0] =	ssyncadd.s32 @!p0 s1  }
0x6b: {  	[bflag:$0x3] =	sbarrier.arrive $0xFFFF  }
0x6c: {  	_ =	shalt  }

</sc_bundles>
